<compile_context>
chip_gen: v7x
topology: tpu7x:2x2x1
jax: 0.10.2.dev20260603
libtpu: 0.0.44.dev20260713+nightly
codegen_flags: <defaults>
</compile_context>

<pallas_src>
import functools

import jax
import jax.numpy as jnp
from jax import lax
from jax.experimental import pallas as pl
from jax.experimental.pallas import tpu as pltpu
from jax.experimental.pallas import tpu_sc as plsc

ALPHA = 16.0
N = 4096
L = 16
NW = 32
RW = N // NW
NCH = N // L
LN2 = 0.6931471805599453
SQRT2 = 1.4142135


def _vlog(x):
    bits = lax.bitcast_convert_type(x, jnp.int32)
    e = ((bits >> 23) & 0xFF) - 127
    m = lax.bitcast_convert_type((bits & 0x007FFFFF) | 0x3F800000, jnp.float32)
    big = m > SQRT2
    m2 = jnp.where(big, m * 0.5, m)
    e2 = (e + jnp.where(big, 1, 0)).astype(jnp.float32)
    z = (m2 - 1.0) / (m2 + 1.0)
    z2 = z * z
    poly = 1.0 + z2 * ((1.0 / 3.0) + z2 * (0.2 + z2 * (1.0 / 7.0)))
    return e2 * LN2 + 2.0 * z * poly


def _splat(v, dtype=jnp.float32):
    return jnp.full((L,), v, dtype)


def _row_pass(x_v, t_v, xi, ti, thr, unroll):

    def body(c, carry):
        p_acc, s_acc = carry
        xs = x_v[pl.ds(c * L, L)]
        ts = t_v[pl.ds(c * L, L)]
        sim = jnp.abs(xs - xi)
        pos = ts == ti
        lt1 = sim < 1.0
        below = sim < thr
        w = jnp.exp(sim * (-ALPHA))
        pn = (pos & lt1) & below
        selb = below & (jnp.logical_not(pos) | lt1)
        p_acc = p_acc + jnp.where(pn, w, 0.0)
        s_acc = s_acc + jnp.where(selb, w, 0.0)
        return p_acc, s_acc

    zero = jnp.zeros((L,), jnp.float32)
    return lax.fori_loop(0, NCH, body, (zero, zero), unroll=unroll)


def _sc_body(x_hbm, t_hbm, loss_hbm, prec_hbm, stats_hbm,
             x_v, t_v, lo_v, pr_v, st_v):
    wid = lax.axis_index("s") * 2 + lax.axis_index("c")
    pltpu.sync_copy(x_hbm, x_v.at[pl.ds(0, N)])
    pltpu.sync_copy(t_hbm, t_v.at[pl.ds(0, N)])
    row0 = wid * RW

    def row_body(r, carry):
        loss_acc, prec_acc = carry
        row = row0 + r
        xc = x_v[pl.ds(row, L)]
        tc = t_v[pl.ds(row, L)]
        xi = jnp.full((L,), xc[0], jnp.float32)
        ti = jnp.full((L,), tc[0], jnp.int32)

        def max_body(c, m):
            xs = x_v[pl.ds(c * L, L)]
            ts = t_v[pl.ds(c * L, L)]
            sim = jnp.abs(xs - xi)
            excl = (ts == ti) & (sim >= 1.0)
            return jnp.maximum(m, jnp.where(excl, -1.0, sim))

        m = lax.fori_loop(0, NCH, max_body, jnp.full((L,), -1.0, jnp.float32),
                          unroll=2)
        thr = _splat(jnp.max(m))

        p_acc, s_acc = _row_pass(x_v, t_v, xi, ti, thr, unroll=2)
        pv = _splat(jnp.sum(p_acc))
        sv = _splat(jnp.sum(s_acc))
        ratio = pv / sv
        loss_v = jnp.where(pv > 0.0, -_vlog(ratio), 0.0)
        loss_acc = loss_acc + loss_v
        prec_acc = prec_acc + jnp.where(loss_v < 0.6, 1.0, 0.0)
        return loss_acc, prec_acc

    zero = jnp.zeros((L,), jnp.float32)
    loss_acc, prec_acc = lax.fori_loop(0, RW, row_body, (zero, zero))

    lo_v[...] = loss_acc
    pr_v[...] = prec_acc
    pltpu.sync_copy(lo_v, loss_hbm.at[wid])
    pltpu.sync_copy(pr_v, prec_hbm.at[wid])

    @pl.when(wid == NW - 1)
    def _stats():
        xc = x_v[pl.ds(N - 1, L)]
        tc = t_v[pl.ds(N - 1, L)]
        xi = jnp.full((L,), xc[0], jnp.float32)
        ti = jnp.full((L,), tc[0], jnp.int32)

        def st_body(c, carry):
            sp, cp, sn, cn = carry
            xs = x_v[pl.ds(c * L, L)]
            ts = t_v[pl.ds(c * L, L)]
            sim = jnp.abs(xs - xi)
            pos = ts == ti
            lp = pos & (sim < 1.0)
            sp = sp + jnp.where(lp, sim, 0.0)
            cp = cp + jnp.where(lp, 1.0, 0.0)
            sn = sn + jnp.where(pos, 0.0, sim)
            cn = cn + jnp.where(pos, 0.0, 1.0)
            return sp, cp, sn, cn

        z = jnp.zeros((L,), jnp.float32)
        sp, cp, sn, cn = lax.fori_loop(0, NCH, st_body, (z, z, z, z), unroll=2)
        st_v[0, :] = _splat(jnp.sum(sp)) / _splat(jnp.sum(cp))
        st_v[1, :] = _splat(jnp.sum(sn)) / _splat(jnp.sum(cn))
        pltpu.sync_copy(st_v, stats_hbm)


_sc_call = functools.partial(
    pl.kernel,
    mesh=plsc.VectorSubcoreMesh(core_axis_name="c", subcore_axis_name="s"),
    compiler_params=pltpu.CompilerParams(needs_layout_passes=False),
    out_type=[
        jax.ShapeDtypeStruct((NW, L), jnp.float32),
        jax.ShapeDtypeStruct((NW, L), jnp.float32),
        jax.ShapeDtypeStruct((2, L), jnp.float32),
    ],
    scratch_types=[
        pltpu.VMEM((N + L,), jnp.float32),
        pltpu.VMEM((N + L,), jnp.int32),
        pltpu.VMEM((L,), jnp.float32),
        pltpu.VMEM((L,), jnp.float32),
        pltpu.VMEM((2, L), jnp.float32),
    ],
)(_sc_body)


def kernel(inputs, targets):
    t32 = targets.astype(jnp.int32)
    loss_p, prec_p, stats = _sc_call(inputs, t32)
    loss = jnp.sum(loss_p[:, 0]) * (1.0 / N)
    prec = jnp.sum(prec_p[:, 0]) * (1.0 / N)
    return (loss, prec, stats[0, 0], stats[1, 0])

# --- scband reference (transcript-rebuilt; emitter-appended) ---
"""Pipeline reference for scband-ncaloss-50818053046733 (READ-ONLY COPY).

The authoritative reference and input builder live on the scoring server;
editing this copy changes nothing except your own understanding.
"""

import jax, jax.numpy as jnp
import numpy as np

ALPHA = 16.0

def setup_inputs(seed: int = 0) -> dict:
    key = jax.random.key(seed)
    k1, k2 = jax.random.split(key)
    n = 4096
    inputs = jax.random.normal(k1, (n,), dtype=jnp.float32)
    targets = jax.random.randint(k2, (n,), 0, 64, dtype=jnp.int64)
    return {"inputs": inputs, "targets": targets}


def reference(inputs, targets):
    n = inputs.shape[0]
    # diff[i, j] = inputs[j] - inputs[i]; sim_mat = |diff| (symmetric)
    sim = jnp.abs(inputs[None, :] - inputs[:, None])  # [n, n]

    # row i masks
    pos_mask = (targets[None, :] == targets[:, None])  # same-class (includes self)
    neg_mask = jnp.logical_not(pos_mask)
    # pos_pair_ after the (< 1) filter
    pos_valid = pos_mask & (sim < 1.0)

    # threshold = max over concatenated (filtered pos, all neg) values per row
    sel = pos_valid | neg_mask
    threshold = jnp.max(jnp.where(sel, sim, -jnp.inf), axis=1, keepdims=True)

    pos_neig = pos_valid & (sim < threshold)
    neg_neig = neg_mask & (sim < threshold)
    # fallback: if pos_neig empty, use pos_pair (= pos_valid)
    has_pos = jnp.any(pos_neig, axis=1, keepdims=True)
    pos_use = jnp.where(has_pos, pos_neig, pos_valid)

    base = jnp.mean(sim, axis=1, keepdims=True)  # per-row mean, matches torch .item()
    w = jnp.exp(ALPHA * (base - sim))
    pos_logit = jnp.sum(jnp.where(pos_use, w, 0.0), axis=1)
    neg_logit = jnp.sum(jnp.where(neg_neig, w, 0.0), axis=1)

    loss_i = -jnp.log(pos_logit / (pos_logit + neg_logit))  # [n]
    loss = jnp.sum(loss_i) / n
    prec = jnp.mean((loss_i < 0.6).astype(jnp.float32))

    # mean_pos_sim / mean_neg_sim come from the LAST row (i = n-1) in the torch loop
    last_s = sim[n - 1]
    lp = pos_valid[n - 1]
    ln = neg_mask[n - 1]
    mean_pos_sim = jnp.sum(jnp.where(lp, last_s, 0.0)) / jnp.sum(lp.astype(jnp.float32))
    mean_neg_sim = jnp.sum(jnp.where(ln, last_s, 0.0)) / jnp.sum(ln.astype(jnp.float32))

    return (loss, prec, mean_pos_sim, mean_neg_sim)

if __name__ == "__main__":
    import jax
    _d = setup_inputs()
    print(jax.jit(kernel)(*tuple(_d.values())))

</pallas_src>

<mosaic_0001>
#map = affine_map<(d0, d1) -> (0)>
#map1 = affine_map<(d0, d1) -> (0, 0)>
module attributes {stable_mosaic.version = 14 : i64} {
  func.func @_sc_body(%arg0: i32, %arg1: i32, %arg2: memref<4096xf32, #tpu.memory_space<hbm>>, %arg3: memref<4096xi32, #tpu.memory_space<hbm>>, %arg4: memref<32x16xf32, #tpu.memory_space<hbm>>, %arg5: memref<32x16xf32, #tpu.memory_space<hbm>>, %arg6: memref<2x16xf32, #tpu.memory_space<hbm>>, %arg7: memref<4112xf32, #tpu.memory_space<vmem>>, %arg8: memref<4112xi32, #tpu.memory_space<vmem>>, %arg9: memref<16xf32, #tpu.memory_space<vmem>>, %arg10: memref<16xf32, #tpu.memory_space<vmem>>, %arg11: memref<2x16xf32, #tpu.memory_space<vmem>>) attributes {dimension_semantics = [#tpu.dimension_semantics<core_parallel>, #tpu.dimension_semantics<subcore_parallel>], iteration_bounds = array<i64: 2, 16>, scalar_prefetch = 0 : i64, scratch_operands = 5 : i64, tpu.core_type = #tpu.core_type<sc_vector_subcore>, window_params = [{transform_indices = #map}, {transform_indices = #map}, {transform_indices = #map1}, {transform_indices = #map1}, {transform_indices = #map1}]} {
    %mul3A = arith.constant 2 : i32
    %mul3A_0 = arith.muli %arg1, %mul3A : i32
    %add3A = arith.addi %mul3A_0, %arg0 : i32
    "tpu.region"() ({
      %run_scoped3A = tpu.sem_alloc : memref<!tpu.dma_semaphore, #tpu.memory_space<semaphore_mem>>
      %dma_start3A = arith.constant 0 : i32
      %dma_start3A_14 = tpu.memref_slice %arg7[%dma_start3A] : memref<4112xf32, #tpu.memory_space<vmem>> -> memref<4096xf32, #tpu.memory_space<vmem>>
      %dma_start3A_15 = arith.constant 0 : i32
      %dma_start3A_16 = tpu.memref_slice %arg7[%dma_start3A_15] : memref<4112xf32, #tpu.memory_space<vmem>> -> memref<4096xf32, #tpu.memory_space<vmem>>
      tpu.enqueue_dma source(%arg2 : memref<4096xf32, #tpu.memory_space<hbm>>) target(%dma_start3A_16 : memref<4096xf32, #tpu.memory_space<vmem>>) target_semaphore(%run_scoped3A : memref<!tpu.dma_semaphore, #tpu.memory_space<semaphore_mem>>)
      %dma_wait3A = arith.constant 0 : i32
      %dma_wait3A_17 = tpu.memref_slice %arg7[%dma_wait3A] : memref<4112xf32, #tpu.memory_space<vmem>> -> memref<4096xf32, #tpu.memory_space<vmem>>
      %dma_wait3A_18 = arith.constant 0 : i32
      %dma_wait3A_19 = tpu.memref_slice %arg7[%dma_wait3A_18] : memref<4112xf32, #tpu.memory_space<vmem>> -> memref<4096xf32, #tpu.memory_space<vmem>>
      tpu.wait_dma2 semaphore(%run_scoped3A : memref<!tpu.dma_semaphore, #tpu.memory_space<semaphore_mem>>) src(%arg2 : memref<4096xf32, #tpu.memory_space<hbm>>) dst(%dma_wait3A_19 : memref<4096xf32, #tpu.memory_space<vmem>>)
      tpu.yield
    }) : () -> ()
    "tpu.region"() ({
      %run_scoped3A = tpu.sem_alloc : memref<!tpu.dma_semaphore, #tpu.memory_space<semaphore_mem>>
      %dma_start3A = arith.constant 0 : i32
      %dma_start3A_14 = tpu.memref_slice %arg8[%dma_start3A] : memref<4112xi32, #tpu.memory_space<vmem>> -> memref<4096xi32, #tpu.memory_space<vmem>>
      %dma_start3A_15 = arith.constant 0 : i32
      %dma_start3A_16 = tpu.memref_slice %arg8[%dma_start3A_15] : memref<4112xi32, #tpu.memory_space<vmem>> -> memref<4096xi32, #tpu.memory_space<vmem>>
      tpu.enqueue_dma source(%arg3 : memref<4096xi32, #tpu.memory_space<hbm>>) target(%dma_start3A_16 : memref<4096xi32, #tpu.memory_space<vmem>>) target_semaphore(%run_scoped3A : memref<!tpu.dma_semaphore, #tpu.memory_space<semaphore_mem>>)
      %dma_wait3A = arith.constant 0 : i32
      %dma_wait3A_17 = tpu.memref_slice %arg8[%dma_wait3A] : memref<4112xi32, #tpu.memory_space<vmem>> -> memref<4096xi32, #tpu.memory_space<vmem>>
      %dma_wait3A_18 = arith.constant 0 : i32
      %dma_wait3A_19 = tpu.memref_slice %arg8[%dma_wait3A_18] : memref<4112xi32, #tpu.memory_space<vmem>> -> memref<4096xi32, #tpu.memory_space<vmem>>
      tpu.wait_dma2 semaphore(%run_scoped3A : memref<!tpu.dma_semaphore, #tpu.memory_space<semaphore_mem>>) src(%arg3 : memref<4096xi32, #tpu.memory_space<hbm>>) dst(%dma_wait3A_19 : memref<4096xi32, #tpu.memory_space<vmem>>)
      tpu.yield
    }) : () -> ()
    %mul3A_1 = arith.constant 128 : i32
    %mul3A_2 = arith.muli %add3A, %mul3A_1 : i32
    %broadcast_in_dim3A = arith.constant 0.000000e+00 : f32
    %broadcast_in_dim3A_3 = vector.broadcast %broadcast_in_dim3A : f32 to vector<16xf32>
    %scan3A = arith.constant 0 : i32
    %scan3A_4 = arith.constant 128 : i32
    %scan3A_5 = arith.addi %scan3A, %scan3A_4 : i32
    %scan3A_6 = arith.constant 1 : i32
    %scan3A_7:2 = scf.for %scan3A_14 = %scan3A to %scan3A_5 step %scan3A_6 iter_args(%scan3A_15 = %broadcast_in_dim3A_3, %scan3A_16 = %broadcast_in_dim3A_3) -> (vector<16xf32>, vector<16xf32>)  : i32 {
      %add3A_17 = arith.addi %mul3A_2, %scan3A_14 : i32
      %get3A = arith.index_cast %add3A_17 : i32 to index
      %get3A_18 = tpu.vector_load %arg7[%get3A] {strides = array<i32>} : memref<4112xf32, #tpu.memory_space<vmem>>, vector<16xf32>,
      %get3A_19 = arith.index_cast %add3A_17 : i32 to index
      %get3A_20 = tpu.vector_load %arg8[%get3A_19] {strides = array<i32>} : memref<4112xi32, #tpu.memory_space<vmem>>, vector<16xi32>,
      %slice3A = vector.extract_strided_slice %get3A_18 {offsets = [0], sizes = [1], strides = [1]} : vector<16xf32> to vector<1xf32>
      %squeeze3A = vector.extract %slice3A[0] : f32 from vector<1xf32>
      %broadcast_in_dim3A_21 = vector.broadcast %squeeze3A : f32 to vector<16xf32>
      %slice3A_22 = vector.extract_strided_slice %get3A_20 {offsets = [0], sizes = [1], strides = [1]} : vector<16xi32> to vector<1xi32>
      %squeeze3A_23 = vector.extract %slice3A_22[0] : i32 from vector<1xi32>
      %broadcast_in_dim3A_24 = vector.broadcast %squeeze3A_23 : i32 to vector<16xi32>
      %broadcast_in_dim3A_25 = arith.constant -1.000000e+00 : f32
      %broadcast_in_dim3A_26 = vector.broadcast %broadcast_in_dim3A_25 : f32 to vector<16xf32>
      %scan3A_27 = arith.constant 0 : i32
      %scan3A_28 = arith.constant 256 : i32
      %scan3A_29 = arith.addi %scan3A_27, %scan3A_28 : i32
      %scan3A_30 = arith.constant 2 : i32
      %scan3A_31 = scf.for %scan3A_124 = %scan3A_27 to %scan3A_29 step %scan3A_30 iter_args(%scan3A_125 = %broadcast_in_dim3A_26) -> (vector<16xf32>)  : i32 {
        %mul3A_126 = arith.constant 16 : i32
        %mul3A_127 = arith.muli %scan3A_124, %mul3A_126 : i32
        %get3A_128 = arith.index_cast %mul3A_127 : i32 to index
        %get3A_129 = tpu.vector_load %arg7[%get3A_128] {strides = array<i32>} : memref<4112xf32, #tpu.memory_space<vmem>>, vector<16xf32>,
        %mul3A_130 = arith.constant 16 : i32
        %mul3A_131 = arith.muli %scan3A_124, %mul3A_130 : i32
        %get3A_132 = arith.index_cast %mul3A_131 : i32 to index
        %get3A_133 = tpu.vector_load %arg8[%get3A_132] {strides = array<i32>} : memref<4112xi32, #tpu.memory_space<vmem>>, vector<16xi32>,
        %sub3A_134 = arith.subf %get3A_129, %broadcast_in_dim3A_21 : vector<16xf32>
        %abs3A = math.absf %sub3A_134 : vector<16xf32>
        %eq3A_135 = arith.cmpi eq, %get3A_133, %broadcast_in_dim3A_24 : vector<16xi32>
        %ge3A = arith.constant 1.000000e+00 : f32
        %ge3A_136 = vector.broadcast %ge3A : f32 to vector<16xf32>
        %ge3A_137 = arith.cmpf oge, %abs3A, %ge3A_136 : vector<16xf32>
        %and3A_138 = arith.andi %eq3A_135, %ge3A_137 : vector<16xi1>
        %jit3A_139 = arith.constant -1.000000e+00 : f32
        %broadcast_in_dim3A_140 = vector.broadcast %jit3A_139 : f32 to vector<16xf32>
        %select_n3A_141 = arith.select %and3A_138, %broadcast_in_dim3A_140, %abs3A : vector<16xi1>, vector<16xf32>
        %max3A = arith.maximumf %scan3A_125, %select_n3A_141 : vector<16xf32>
        %scan3A_142 = arith.constant 1 : i32
        %scan3A_143 = arith.addi %scan3A_124, %scan3A_142 : i32
        %mul3A_144 = arith.constant 16 : i32
        %mul3A_145 = arith.muli %scan3A_143, %mul3A_144 : i32
        %get3A_146 = arith.index_cast %mul3A_145 : i32 to index
        %get3A_147 = tpu.vector_load %arg7[%get3A_146] {strides = array<i32>} : memref<4112xf32, #tpu.memory_space<vmem>>, vector<16xf32>,
        %mul3A_148 = arith.constant 16 : i32
        %mul3A_149 = arith.muli %scan3A_143, %mul3A_148 : i32
        %get3A_150 = arith.index_cast %mul3A_149 : i32 to index
        %get3A_151 = tpu.vector_load %arg8[%get3A_150] {strides = array<i32>} : memref<4112xi32, #tpu.memory_space<vmem>>, vector<16xi32>,
        %sub3A_152 = arith.subf %get3A_147, %broadcast_in_dim3A_21 : vector<16xf32>
        %abs3A_153 = math.absf %sub3A_152 : vector<16xf32>
        %eq3A_154 = arith.cmpi eq, %get3A_151, %broadcast_in_dim3A_24 : vector<16xi32>
        %ge3A_155 = arith.constant 1.000000e+00 : f32
        %ge3A_156 = vector.broadcast %ge3A_155 : f32 to vector<16xf32>
        %ge3A_157 = arith.cmpf oge, %abs3A_153, %ge3A_156 : vector<16xf32>
        %and3A_158 = arith.andi %eq3A_154, %ge3A_157 : vector<16xi1>
        %jit3A_159 = arith.constant -1.000000e+00 : f32
        %broadcast_in_dim3A_160 = vector.broadcast %jit3A_159 : f32 to vector<16xf32>
        %select_n3A_161 = arith.select %and3A_158, %broadcast_in_dim3A_160, %abs3A_153 : vector<16xi1>, vector<16xf32>
        %max3A_162 = arith.maximumf %max3A, %select_n3A_161 : vector<16xf32>
        scf.yield %max3A_162 : vector<16xf32>
      }
      %scan3A_32 = arith.constant 256 : i32
      %reduce_max3A = arith.constant true
      %reduce_max3A_33 = vector.broadcast %reduce_max3A : i1 to vector<16xi1>
      %reduce_max3A_34 = tpu.scan <max>, %scan3A_31 masked %reduce_max3A_33 : vector<16xf32>, vector<16xi1> -> vector<16xf32>
      %reduce_max3A_35 = vector.extract %reduce_max3A_34[15] : f32 from vector<16xf32>
      %broadcast_in_dim3A_36 = vector.broadcast %reduce_max3A_35 : f32 to vector<16xf32>
      %broadcast_in_dim3A_37 = arith.constant 0.000000e+00 : f32
      %broadcast_in_dim3A_38 = vector.broadcast %broadcast_in_dim3A_37 : f32 to vector<16xf32>
      %scan3A_39 = arith.constant 0 : i32
      %scan3A_40 = arith.constant 256 : i32
      %scan3A_41 = arith.addi %scan3A_39, %scan3A_40 : i32
      %scan3A_42 = arith.constant 2 : i32
      %scan3A_43:2 = scf.for %scan3A_124 = %scan3A_39 to %scan3A_41 step %scan3A_42 iter_args(%scan3A_125 = %broadcast_in_dim3A_38, %scan3A_126 = %broadcast_in_dim3A_38) -> (vector<16xf32>, vector<16xf32>)  : i32 {
        %mul3A_127 = arith.constant 16 : i32
        %mul3A_128 = arith.muli %scan3A_124, %mul3A_127 : i32
        %get3A_129 = arith.index_cast %mul3A_128 : i32 to index
        %get3A_130 = tpu.vector_load %arg7[%get3A_129] {strides = array<i32>} : memref<4112xf32, #tpu.memory_space<vmem>>, vector<16xf32>,
        %mul3A_131 = arith.constant 16 : i32
        %mul3A_132 = arith.muli %scan3A_124, %mul3A_131 : i32
        %get3A_133 = arith.index_cast %mul3A_132 : i32 to index
        %get3A_134 = tpu.vector_load %arg8[%get3A_133] {strides = array<i32>} : memref<4112xi32, #tpu.memory_space<vmem>>, vector<16xi32>,
        %sub3A_135 = arith.subf %get3A_130, %broadcast_in_dim3A_21 : vector<16xf32>
        %abs3A = math.absf %sub3A_135 : vector<16xf32>
        %eq3A_136 = arith.cmpi eq, %get3A_134, %broadcast_in_dim3A_24 : vector<16xi32>
        %lt3A_137 = arith.constant 1.000000e+00 : f32
        %lt3A_138 = vector.broadcast %lt3A_137 : f32 to vector<16xf32>
        %lt3A_139 = arith.cmpf olt, %abs3A, %lt3A_138 : vector<16xf32>
        %lt3A_140 = arith.cmpf olt, %abs3A, %broadcast_in_dim3A_36 : vector<16xf32>
        %mul3A_141 = arith.constant -1.600000e+01 : f32
        %mul3A_142 = vector.broadcast %mul3A_141 : f32 to vector<16xf32>
        %mul3A_143 = arith.mulf %abs3A, %mul3A_142 : vector<16xf32>
        %exp3A = math.exp %mul3A_143 : vector<16xf32>
        %and3A_144 = arith.andi %eq3A_136, %lt3A_139 : vector<16xi1>
        %and3A_145 = arith.andi %and3A_144, %lt3A_140 : vector<16xi1>
        %not3A = arith.constant dense<true> : vector<16xi1>
        %not3A_146 = arith.xori %eq3A_136, %not3A : vector<16xi1>
        %or3A_147 = arith.ori %not3A_146, %lt3A_139 : vector<16xi1>
        %and3A_148 = arith.andi %lt3A_140, %or3A_147 : vector<16xi1>
        %jit3A_149 = arith.constant 0.000000e+00 : f32
        %broadcast_in_dim3A_150 = vector.broadcast %jit3A_149 : f32 to vector<16xf32>
        %select_n3A_151 = arith.select %and3A_145, %exp3A, %broadcast_in_dim3A_150 : vector<16xi1>, vector<16xf32>
        %add3A_152 = arith.addf %scan3A_125, %select_n3A_151 : vector<16xf32>
        %jit3A_153 = arith.constant 0.000000e+00 : f32
        %broadcast_in_dim3A_154 = vector.broadcast %jit3A_153 : f32 to vector<16xf32>
        %select_n3A_155 = arith.select %and3A_148, %exp3A, %broadcast_in_dim3A_154 : vector<16xi1>, vector<16xf32>
        %add3A_156 = arith.addf %scan3A_126, %select_n3A_155 : vector<16xf32>
        %scan3A_157 = arith.constant 1 : i32
        %scan3A_158 = arith.addi %scan3A_124, %scan3A_157 : i32
        %mul3A_159 = arith.constant 16 : i32
        %mul3A_160 = arith.muli %scan3A_158, %mul3A_159 : i32
        %get3A_161 = arith.index_cast %mul3A_160 : i32 to index
        %get3A_162 = tpu.vector_load %arg7[%get3A_161] {strides = array<i32>} : memref<4112xf32, #tpu.memory_space<vmem>>, vector<16xf32>,
        %mul3A_163 = arith.constant 16 : i32
        %mul3A_164 = arith.muli %scan3A_158, %mul3A_163 : i32
        %get3A_165 = arith.index_cast %mul3A_164 : i32 to index
        %get3A_166 = tpu.vector_load %arg8[%get3A_165] {strides = array<i32>} : memref<4112xi32, #tpu.memory_space<vmem>>, vector<16xi32>,
        %sub3A_167 = arith.subf %get3A_162, %broadcast_in_dim3A_21 : vector<16xf32>
        %abs3A_168 = math.absf %sub3A_167 : vector<16xf32>
        %eq3A_169 = arith.cmpi eq, %get3A_166, %broadcast_in_dim3A_24 : vector<16xi32>
        %lt3A_170 = arith.constant 1.000000e+00 : f32
        %lt3A_171 = vector.broadcast %lt3A_170 : f32 to vector<16xf32>
        %lt3A_172 = arith.cmpf olt, %abs3A_168, %lt3A_171 : vector<16xf32>
        %lt3A_173 = arith.cmpf olt, %abs3A_168, %broadcast_in_dim3A_36 : vector<16xf32>
        %mul3A_174 = arith.constant -1.600000e+01 : f32
        %mul3A_175 = vector.broadcast %mul3A_174 : f32 to vector<16xf32>
        %mul3A_176 = arith.mulf %abs3A_168, %mul3A_175 : vector<16xf32>
        %exp3A_177 = math.exp %mul3A_176 : vector<16xf32>
        %and3A_178 = arith.andi %eq3A_169, %lt3A_172 : vector<16xi1>
        %and3A_179 = arith.andi %and3A_178, %lt3A_173 : vector<16xi1>
        %not3A_180 = arith.constant dense<true> : vector<16xi1>
        %not3A_181 = arith.xori %eq3A_169, %not3A_180 : vector<16xi1>
        %or3A_182 = arith.ori %not3A_181, %lt3A_172 : vector<16xi1>
        %and3A_183 = arith.andi %lt3A_173, %or3A_182 : vector<16xi1>
        %jit3A_184 = arith.constant 0.000000e+00 : f32
        %broadcast_in_dim3A_185 = vector.broadcast %jit3A_184 : f32 to vector<16xf32>
        %select_n3A_186 = arith.select %and3A_179, %exp3A_177, %broadcast_in_dim3A_185 : vector<16xi1>, vector<16xf32>
        %add3A_187 = arith.addf %add3A_152, %select_n3A_186 : vector<16xf32>
        %jit3A_188 = arith.constant 0.000000e+00 : f32
        %broadcast_in_dim3A_189 = vector.broadcast %jit3A_188 : f32 to vector<16xf32>
        %select_n3A_190 = arith.select %and3A_183, %exp3A_177, %broadcast_in_dim3A_189 : vector<16xi1>, vector<16xf32>
        %add3A_191 = arith.addf %add3A_156, %select_n3A_190 : vector<16xf32>
        scf.yield %add3A_187, %add3A_191 : vector<16xf32>, vector<16xf32>
      }
      %scan3A_44 = arith.constant 256 : i32
      %reduce_sum3A = arith.constant true
      %reduce_sum3A_45 = vector.broadcast %reduce_sum3A : i1 to vector<16xi1>
      %reduce_sum3A_46 = tpu.scan <sum>, %scan3A_43#0 masked %reduce_sum3A_45 : vector<16xf32>, vector<16xi1> -> vector<16xf32>
      %reduce_sum3A_47 = vector.extract %reduce_sum3A_46[15] : f32 from vector<16xf32>
      %broadcast_in_dim3A_48 = vector.broadcast %reduce_sum3A_47 : f32 to vector<16xf32>
      %reduce_sum3A_49 = arith.constant true
      %reduce_sum3A_50 = vector.broadcast %reduce_sum3A_49 : i1 to vector<16xi1>
      %reduce_sum3A_51 = tpu.scan <sum>, %scan3A_43#1 masked %reduce_sum3A_50 : vector<16xf32>, vector<16xi1> -> vector<16xf32>
      %reduce_sum3A_52 = vector.extract %reduce_sum3A_51[15] : f32 from vector<16xf32>
      %broadcast_in_dim3A_53 = vector.broadcast %reduce_sum3A_52 : f32 to vector<16xf32>
      %div3A = arith.divf %broadcast_in_dim3A_48, %broadcast_in_dim3A_53 : vector<16xf32>
      %gt3A = arith.constant 0.000000e+00 : f32
      %gt3A_54 = vector.broadcast %gt3A : f32 to vector<16xf32>
      %gt3A_55 = arith.cmpf ogt, %broadcast_in_dim3A_48, %gt3A_54 : vector<16xf32>
      %bitcast_convert_type3A = tpu.bitcast %div3A : vector<16xf32> -> vector<16xi32>
      %shift_right_arithmetic3A = arith.constant 23 : i32
      %shift_right_arithmetic3A_56 = vector.broadcast %shift_right_arithmetic3A : i32 to vector<16xi32>
      %shift_right_arithmetic3A_57 = arith.shrsi %bitcast_convert_type3A, %shift_right_arithmetic3A_56 : vector<16xi32>
      %and3A = arith.constant 255 : i32
      %and3A_58 = vector.broadcast %and3A : i32 to vector<16xi32>
      %and3A_59 = arith.andi %shift_right_arithmetic3A_57, %and3A_58 : vector<16xi32>
      %sub3A = arith.constant 127 : i32
      %sub3A_60 = vector.broadcast %sub3A : i32 to vector<16xi32>
      %sub3A_61 = arith.subi %and3A_59, %sub3A_60 : vector<16xi32>
      %and3A_62 = arith.constant 8388607 : i32
      %and3A_63 = vector.broadcast %and3A_62 : i32 to vector<16xi32>
      %and3A_64 = arith.andi %bitcast_convert_type3A, %and3A_63 : vector<16xi32>
      %or3A = arith.constant 1065353216 : i32
      %or3A_65 = vector.broadcast %or3A : i32 to vector<16xi32>
      %or3A_66 = arith.ori %and3A_64, %or3A_65 : vector<16xi32>
      %bitcast_convert_type3A_67 = tpu.bitcast %or3A_66 : vector<16xi32> -> vector<16xf32>
      %gt3A_68 = arith.constant 1.41421354 : f32
      %gt3A_69 = vector.broadcast %gt3A_68 : f32 to vector<16xf32>
      %gt3A_70 = arith.cmpf ogt, %bitcast_convert_type3A_67, %gt3A_69 : vector<16xf32>
      %mul3A_71 = arith.constant 5.000000e-01 : f32
      %mul3A_72 = vector.broadcast %mul3A_71 : f32 to vector<16xf32>
      %mul3A_73 = arith.mulf %bitcast_convert_type3A_67, %mul3A_72 : vector<16xf32>
      %select_n3A = arith.select %gt3A_70, %mul3A_73, %bitcast_convert_type3A_67 : vector<16xi1>, vector<16xf32>
      %jit3A = arith.constant 1 : i32
      %jit3A_74 = arith.constant 0 : i32
      %broadcast_in_dim3A_75 = vector.broadcast %jit3A : i32 to vector<16xi32>
      %broadcast_in_dim3A_76 = vector.broadcast %jit3A_74 : i32 to vector<16xi32>
      %select_n3A_77 = arith.select %gt3A_70, %broadcast_in_dim3A_75, %broadcast_in_dim3A_76 : vector<16xi1>, vector<16xi32>
      %add3A_78 = arith.addi %sub3A_61, %select_n3A_77 : vector<16xi32>
      %convert_element_type3A_79 = arith.sitofp %add3A_78 : vector<16xi32> to vector<16xf32>
      %sub3A_80 = arith.constant 1.000000e+00 : f32
      %sub3A_81 = vector.broadcast %sub3A_80 : f32 to vector<16xf32>
      %sub3A_82 = arith.subf %select_n3A, %sub3A_81 : vector<16xf32>
      %add3A_83 = arith.constant 1.000000e+00 : f32
      %add3A_84 = vector.broadcast %add3A_83 : f32 to vector<16xf32>
      %add3A_85 = arith.addf %select_n3A, %add3A_84 : vector<16xf32>
      %div3A_86 = arith.divf %sub3A_82, %add3A_85 : vector<16xf32>
      %mul3A_87 = arith.mulf %div3A_86, %div3A_86 : vector<16xf32>
      %mul3A_88 = arith.constant 0.142857149 : f32
      %mul3A_89 = vector.broadcast %mul3A_88 : f32 to vector<16xf32>
      %mul3A_90 = arith.mulf %mul3A_87, %mul3A_89 : vector<16xf32>
      %add3A_91 = arith.constant 2.000000e-01 : f32
      %add3A_92 = vector.broadcast %add3A_91 : f32 to vector<16xf32>
      %add3A_93 = arith.addf %add3A_92, %mul3A_90 : vector<16xf32>
      %mul3A_94 = arith.mulf %mul3A_87, %add3A_93 : vector<16xf32>
      %add3A_95 = arith.constant 0.333333343 : f32
      %add3A_96 = vector.broadcast %add3A_95 : f32 to vector<16xf32>
      %add3A_97 = arith.addf %add3A_96, %mul3A_94 : vector<16xf32>
      %mul3A_98 = arith.mulf %mul3A_87, %add3A_97 : vector<16xf32>
      %add3A_99 = arith.constant 1.000000e+00 : f32
      %add3A_100 = vector.broadcast %add3A_99 : f32 to vector<16xf32>
      %add3A_101 = arith.addf %add3A_100, %mul3A_98 : vector<16xf32>
      %mul3A_102 = arith.constant 0.693147182 : f32
      %mul3A_103 = vector.broadcast %mul3A_102 : f32 to vector<16xf32>
      %mul3A_104 = arith.mulf %convert_element_type3A_79, %mul3A_103 : vector<16xf32>
      %mul3A_105 = arith.constant 2.000000e+00 : f32
      %mul3A_106 = vector.broadcast %mul3A_105 : f32 to vector<16xf32>
      %mul3A_107 = arith.mulf %mul3A_106, %div3A_86 : vector<16xf32>
      %mul3A_108 = arith.mulf %mul3A_107, %add3A_101 : vector<16xf32>
      %add3A_109 = arith.addf %mul3A_104, %mul3A_108 : vector<16xf32>
      %neg3A = arith.constant 0.000000e+00 : f32
      %neg3A_110 = vector.broadcast %neg3A : f32 to vector<16xf32>
      %neg3A_111 = arith.subf %neg3A_110, %add3A_109 : vector<16xf32>
      %jit3A_112 = arith.constant 0.000000e+00 : f32
      %broadcast_in_dim3A_113 = vector.broadcast %jit3A_112 : f32 to vector<16xf32>
      %select_n3A_114 = arith.select %gt3A_55, %neg3A_111, %broadcast_in_dim3A_113 : vector<16xi1>, vector<16xf32>
      %add3A_115 = arith.addf %scan3A_15, %select_n3A_114 : vector<16xf32>
      %lt3A = arith.constant 6.000000e-01 : f32
      %lt3A_116 = vector.broadcast %lt3A : f32 to vector<16xf32>
      %lt3A_117 = arith.cmpf olt, %select_n3A_114, %lt3A_116 : vector<16xf32>
      %jit3A_118 = arith.constant 1.000000e+00 : f32
      %jit3A_119 = arith.constant 0.000000e+00 : f32
      %broadcast_in_dim3A_120 = vector.broadcast %jit3A_118 : f32 to vector<16xf32>
      %broadcast_in_dim3A_121 = vector.broadcast %jit3A_119 : f32 to vector<16xf32>
      %select_n3A_122 = arith.select %lt3A_117, %broadcast_in_dim3A_120, %broadcast_in_dim3A_121 : vector<16xi1>, vector<16xf32>
      %add3A_123 = arith.addf %scan3A_16, %select_n3A_122 : vector<16xf32>
      scf.yield %add3A_115, %add3A_123 : vector<16xf32>, vector<16xf32>
    }
    %scan3A_8 = arith.constant 128 : i32
    %swap3A = arith.constant 0 : index
    %swap3A_9 = tpu.vector_load %arg9[%swap3A] {strides = array<i32>} : memref<16xf32, #tpu.memory_space<vmem>>, vector<16xf32>,
    tpu.vector_store %arg9[%swap3A], %scan3A_7#0 {strides = array<i32>} : memref<16xf32, #tpu.memory_space<vmem>>, vector<16xf32>,
    %swap3A_10 = arith.constant 0 : index
    %swap3A_11 = tpu.vector_load %arg10[%swap3A_10] {strides = array<i32>} : memref<16xf32, #tpu.memory_space<vmem>>, vector<16xf32>,
    tpu.vector_store %arg10[%swap3A_10], %scan3A_7#1 {strides = array<i32>} : memref<16xf32, #tpu.memory_space<vmem>>, vector<16xf32>,
    "tpu.region"() ({
      %run_scoped3A = tpu.sem_alloc : memref<!tpu.dma_semaphore, #tpu.memory_space<semaphore_mem>>
      %dma_start3A = arith.constant 0 : i32
      %dma_start3A_14 = tpu.memref_slice %arg4[%add3A, %dma_start3A] : memref<32x16xf32, #tpu.memory_space<hbm>> -> memref<1x16xf32, #tpu.memory_space<hbm>>
      %dma_start3A_15 = tpu.memref_squeeze %dma_start3A_14 : memref<1x16xf32, #tpu.memory_space<hbm>> -> memref<16xf32, #tpu.memory_space<hbm>>
      %dma_start3A_16 = arith.constant 0 : i32
      %dma_start3A_17 = tpu.memref_slice %arg4[%add3A, %dma_start3A_16] : memref<32x16xf32, #tpu.memory_space<hbm>> -> memref<1x16xf32, #tpu.memory_space<hbm>>
      %dma_start3A_18 = tpu.memref_squeeze %dma_start3A_17 : memref<1x16xf32, #tpu.memory_space<hbm>> -> memref<16xf32, #tpu.memory_space<hbm>>
      tpu.enqueue_dma source(%arg9 : memref<16xf32, #tpu.memory_space<vmem>>) target(%dma_start3A_18 : memref<16xf32, #tpu.memory_space<hbm>>) target_semaphore(%run_scoped3A : memref<!tpu.dma_semaphore, #tpu.memory_space<semaphore_mem>>)
      %dma_wait3A = arith.constant 0 : i32
      %dma_wait3A_19 = tpu.memref_slice %arg4[%add3A, %dma_wait3A] : memref<32x16xf32, #tpu.memory_space<hbm>> -> memref<1x16xf32, #tpu.memory_space<hbm>>
      %dma_wait3A_20 = tpu.memref_squeeze %dma_wait3A_19 : memref<1x16xf32, #tpu.memory_space<hbm>> -> memref<16xf32, #tpu.memory_space<hbm>>
      %dma_wait3A_21 = arith.constant 0 : i32
      %dma_wait3A_22 = tpu.memref_slice %arg4[%add3A, %dma_wait3A_21] : memref<32x16xf32, #tpu.memory_space<hbm>> -> memref<1x16xf32, #tpu.memory_space<hbm>>
      %dma_wait3A_23 = tpu.memref_squeeze %dma_wait3A_22 : memref<1x16xf32, #tpu.memory_space<hbm>> -> memref<16xf32, #tpu.memory_space<hbm>>
      tpu.wait_dma2 semaphore(%run_scoped3A : memref<!tpu.dma_semaphore, #tpu.memory_space<semaphore_mem>>) src(%arg9 : memref<16xf32, #tpu.memory_space<vmem>>) dst(%dma_wait3A_23 : memref<16xf32, #tpu.memory_space<hbm>>)
      tpu.yield
    }) : () -> ()
    "tpu.region"() ({
      %run_scoped3A = tpu.sem_alloc : memref<!tpu.dma_semaphore, #tpu.memory_space<semaphore_mem>>
      %dma_start3A = arith.constant 0 : i32
      %dma_start3A_14 = tpu.memref_slice %arg5[%add3A, %dma_start3A] : memref<32x16xf32, #tpu.memory_space<hbm>> -> memref<1x16xf32, #tpu.memory_space<hbm>>
      %dma_start3A_15 = tpu.memref_squeeze %dma_start3A_14 : memref<1x16xf32, #tpu.memory_space<hbm>> -> memref<16xf32, #tpu.memory_space<hbm>>
      %dma_start3A_16 = arith.constant 0 : i32
      %dma_start3A_17 = tpu.memref_slice %arg5[%add3A, %dma_start3A_16] : memref<32x16xf32, #tpu.memory_space<hbm>> -> memref<1x16xf32, #tpu.memory_space<hbm>>
      %dma_start3A_18 = tpu.memref_squeeze %dma_start3A_17 : memref<1x16xf32, #tpu.memory_space<hbm>> -> memref<16xf32, #tpu.memory_space<hbm>>
      tpu.enqueue_dma source(%arg10 : memref<16xf32, #tpu.memory_space<vmem>>) target(%dma_start3A_18 : memref<16xf32, #tpu.memory_space<hbm>>) target_semaphore(%run_scoped3A : memref<!tpu.dma_semaphore, #tpu.memory_space<semaphore_mem>>)
      %dma_wait3A = arith.constant 0 : i32
      %dma_wait3A_19 = tpu.memref_slice %arg5[%add3A, %dma_wait3A] : memref<32x16xf32, #tpu.memory_space<hbm>> -> memref<1x16xf32, #tpu.memory_space<hbm>>
      %dma_wait3A_20 = tpu.memref_squeeze %dma_wait3A_19 : memref<1x16xf32, #tpu.memory_space<hbm>> -> memref<16xf32, #tpu.memory_space<hbm>>
      %dma_wait3A_21 = arith.constant 0 : i32
      %dma_wait3A_22 = tpu.memref_slice %arg5[%add3A, %dma_wait3A_21] : memref<32x16xf32, #tpu.memory_space<hbm>> -> memref<1x16xf32, #tpu.memory_space<hbm>>
      %dma_wait3A_23 = tpu.memref_squeeze %dma_wait3A_22 : memref<1x16xf32, #tpu.memory_space<hbm>> -> memref<16xf32, #tpu.memory_space<hbm>>
      tpu.wait_dma2 semaphore(%run_scoped3A : memref<!tpu.dma_semaphore, #tpu.memory_space<semaphore_mem>>) src(%arg10 : memref<16xf32, #tpu.memory_space<vmem>>) dst(%dma_wait3A_23 : memref<16xf32, #tpu.memory_space<hbm>>)
      tpu.yield
    }) : () -> ()
    %eq3A = arith.constant 31 : i32
    %eq3A_12 = arith.cmpi eq, %add3A, %eq3A : i32
    %convert_element_type3A = arith.extui %eq3A_12 : i1 to i32
    %cond3A = arith.constant 0 : i32
    %cond3A_13 = arith.cmpi ne, %convert_element_type3A, %cond3A : i32
    scf.if %cond3A_13 {
      %get3A = arith.constant 4095 : index
      %get3A_14 = tpu.vector_load %arg7[%get3A] {strides = array<i32>} : memref<4112xf32, #tpu.memory_space<vmem>>, vector<16xf32>,
      %get3A_15 = arith.constant 4095 : index
      %get3A_16 = tpu.vector_load %arg8[%get3A_15] {strides = array<i32>} : memref<4112xi32, #tpu.memory_space<vmem>>, vector<16xi32>,
      %slice3A = vector.extract_strided_slice %get3A_14 {offsets = [0], sizes = [1], strides = [1]} : vector<16xf32> to vector<1xf32>
      %squeeze3A = vector.extract %slice3A[0] : f32 from vector<1xf32>
      %broadcast_in_dim3A_17 = vector.broadcast %squeeze3A : f32 to vector<16xf32>
      %slice3A_18 = vector.extract_strided_slice %get3A_16 {offsets = [0], sizes = [1], strides = [1]} : vector<16xi32> to vector<1xi32>
      %squeeze3A_19 = vector.extract %slice3A_18[0] : i32 from vector<1xi32>
      %broadcast_in_dim3A_20 = vector.broadcast %squeeze3A_19 : i32 to vector<16xi32>
      %broadcast_in_dim3A_21 = arith.constant 0.000000e+00 : f32
      %broadcast_in_dim3A_22 = vector.broadcast %broadcast_in_dim3A_21 : f32 to vector<16xf32>
      %scan3A_23 = arith.constant 0 : i32
      %scan3A_24 = arith.constant 256 : i32
      %scan3A_25 = arith.addi %scan3A_23, %scan3A_24 : i32
      %scan3A_26 = arith.constant 2 : i32
      %scan3A_27:4 = scf.for %scan3A_57 = %scan3A_23 to %scan3A_25 step %scan3A_26 iter_args(%scan3A_58 = %broadcast_in_dim3A_22, %scan3A_59 = %broadcast_in_dim3A_22, %scan3A_60 = %broadcast_in_dim3A_22, %scan3A_61 = %broadcast_in_dim3A_22) -> (vector<16xf32>, vector<16xf32>, vector<16xf32>, vector<16xf32>)  : i32 {
        %mul3A_62 = arith.constant 16 : i32
        %mul3A_63 = arith.muli %scan3A_57, %mul3A_62 : i32
        %get3A_64 = arith.index_cast %mul3A_63 : i32 to index
        %get3A_65 = tpu.vector_load %arg7[%get3A_64] {strides = array<i32>} : memref<4112xf32, #tpu.memory_space<vmem>>, vector<16xf32>,
        %mul3A_66 = arith.constant 16 : i32
        %mul3A_67 = arith.muli %scan3A_57, %mul3A_66 : i32
        %get3A_68 = arith.index_cast %mul3A_67 : i32 to index
        %get3A_69 = tpu.vector_load %arg8[%get3A_68] {strides = array<i32>} : memref<4112xi32, #tpu.memory_space<vmem>>, vector<16xi32>,
        %sub3A = arith.subf %get3A_65, %broadcast_in_dim3A_17 : vector<16xf32>
        %abs3A = math.absf %sub3A : vector<16xf32>
        %eq3A_70 = arith.cmpi eq, %get3A_69, %broadcast_in_dim3A_20 : vector<16xi32>
        %lt3A = arith.constant 1.000000e+00 : f32
        %lt3A_71 = vector.broadcast %lt3A : f32 to vector<16xf32>
        %lt3A_72 = arith.cmpf olt, %abs3A, %lt3A_71 : vector<16xf32>
        %and3A = arith.andi %eq3A_70, %lt3A_72 : vector<16xi1>
        %jit3A = arith.constant 0.000000e+00 : f32
        %broadcast_in_dim3A_73 = vector.broadcast %jit3A : f32 to vector<16xf32>
        %select_n3A = arith.select %and3A, %abs3A, %broadcast_in_dim3A_73 : vector<16xi1>, vector<16xf32>
        %add3A_74 = arith.addf %scan3A_58, %select_n3A : vector<16xf32>
        %jit3A_75 = arith.constant 1.000000e+00 : f32
        %jit3A_76 = arith.constant 0.000000e+00 : f32
        %broadcast_in_dim3A_77 = vector.broadcast %jit3A_75 : f32 to vector<16xf32>
        %broadcast_in_dim3A_78 = vector.broadcast %jit3A_76 : f32 to vector<16xf32>
        %select_n3A_79 = arith.select %and3A, %broadcast_in_dim3A_77, %broadcast_in_dim3A_78 : vector<16xi1>, vector<16xf32>
        %add3A_80 = arith.addf %scan3A_59, %select_n3A_79 : vector<16xf32>
        %jit3A_81 = arith.constant 0.000000e+00 : f32
        %broadcast_in_dim3A_82 = vector.broadcast %jit3A_81 : f32 to vector<16xf32>
        %select_n3A_83 = arith.select %eq3A_70, %broadcast_in_dim3A_82, %abs3A : vector<16xi1>, vector<16xf32>
        %add3A_84 = arith.addf %scan3A_60, %select_n3A_83 : vector<16xf32>
        %jit3A_85 = arith.constant 0.000000e+00 : f32
        %jit3A_86 = arith.constant 1.000000e+00 : f32
        %broadcast_in_dim3A_87 = vector.broadcast %jit3A_85 : f32 to vector<16xf32>
        %broadcast_in_dim3A_88 = vector.broadcast %jit3A_86 : f32 to vector<16xf32>
        %select_n3A_89 = arith.select %eq3A_70, %broadcast_in_dim3A_87, %broadcast_in_dim3A_88 : vector<16xi1>, vector<16xf32>
        %add3A_90 = arith.addf %scan3A_61, %select_n3A_89 : vector<16xf32>
        %scan3A_91 = arith.constant 1 : i32
        %scan3A_92 = arith.addi %scan3A_57, %scan3A_91 : i32
        %mul3A_93 = arith.constant 16 : i32
        %mul3A_94 = arith.muli %scan3A_92, %mul3A_93 : i32
        %get3A_95 = arith.index_cast %mul3A_94 : i32 to index
        %get3A_96 = tpu.vector_load %arg7[%get3A_95] {strides = array<i32>} : memref<4112xf32, #tpu.memory_space<vmem>>, vector<16xf32>,
        %mul3A_97 = arith.constant 16 : i32
        %mul3A_98 = arith.muli %scan3A_92, %mul3A_97 : i32
        %get3A_99 = arith.index_cast %mul3A_98 : i32 to index
        %get3A_100 = tpu.vector_load %arg8[%get3A_99] {strides = array<i32>} : memref<4112xi32, #tpu.memory_space<vmem>>, vector<16xi32>,
        %sub3A_101 = arith.subf %get3A_96, %broadcast_in_dim3A_17 : vector<16xf32>
        %abs3A_102 = math.absf %sub3A_101 : vector<16xf32>
        %eq3A_103 = arith.cmpi eq, %get3A_100, %broadcast_in_dim3A_20 : vector<16xi32>
        %lt3A_104 = arith.constant 1.000000e+00 : f32
        %lt3A_105 = vector.broadcast %lt3A_104 : f32 to vector<16xf32>
        %lt3A_106 = arith.cmpf olt, %abs3A_102, %lt3A_105 : vector<16xf32>
        %and3A_107 = arith.andi %eq3A_103, %lt3A_106 : vector<16xi1>
        %jit3A_108 = arith.constant 0.000000e+00 : f32
        %broadcast_in_dim3A_109 = vector.broadcast %jit3A_108 : f32 to vector<16xf32>
        %select_n3A_110 = arith.select %and3A_107, %abs3A_102, %broadcast_in_dim3A_109 : vector<16xi1>, vector<16xf32>
        %add3A_111 = arith.addf %add3A_74, %select_n3A_110 : vector<16xf32>
        %jit3A_112 = arith.constant 1.000000e+00 : f32
        %jit3A_113 = arith.constant 0.000000e+00 : f32
        %broadcast_in_dim3A_114 = vector.broadcast %jit3A_112 : f32 to vector<16xf32>
        %broadcast_in_dim3A_115 = vector.broadcast %jit3A_113 : f32 to vector<16xf32>
        %select_n3A_116 = arith.select %and3A_107, %broadcast_in_dim3A_114, %broadcast_in_dim3A_115 : vector<16xi1>, vector<16xf32>
        %add3A_117 = arith.addf %add3A_80, %select_n3A_116 : vector<16xf32>
        %jit3A_118 = arith.constant 0.000000e+00 : f32
        %broadcast_in_dim3A_119 = vector.broadcast %jit3A_118 : f32 to vector<16xf32>
        %select_n3A_120 = arith.select %eq3A_103, %broadcast_in_dim3A_119, %abs3A_102 : vector<16xi1>, vector<16xf32>
        %add3A_121 = arith.addf %add3A_84, %select_n3A_120 : vector<16xf32>
        %jit3A_122 = arith.constant 0.000000e+00 : f32
        %jit3A_123 = arith.constant 1.000000e+00 : f32
        %broadcast_in_dim3A_124 = vector.broadcast %jit3A_122 : f32 to vector<16xf32>
        %broadcast_in_dim3A_125 = vector.broadcast %jit3A_123 : f32 to vector<16xf32>
        %select_n3A_126 = arith.select %eq3A_103, %broadcast_in_dim3A_124, %broadcast_in_dim3A_125 : vector<16xi1>, vector<16xf32>
        %add3A_127 = arith.addf %add3A_90, %select_n3A_126 : vector<16xf32>
        scf.yield %add3A_111, %add3A_117, %add3A_121, %add3A_127 : vector<16xf32>, vector<16xf32>, vector<16xf32>, vector<16xf32>
      }
      %scan3A_28 = arith.constant 256 : i32
      %reduce_sum3A = arith.constant true
      %reduce_sum3A_29 = vector.broadcast %reduce_sum3A : i1 to vector<16xi1>
      %reduce_sum3A_30 = tpu.scan <sum>, %scan3A_27#0 masked %reduce_sum3A_29 : vector<16xf32>, vector<16xi1> -> vector<16xf32>
      %reduce_sum3A_31 = vector.extract %reduce_sum3A_30[15] : f32 from vector<16xf32>
      %broadcast_in_dim3A_32 = vector.broadcast %reduce_sum3A_31 : f32 to vector<16xf32>
      %reduce_sum3A_33 = arith.constant true
      %reduce_sum3A_34 = vector.broadcast %reduce_sum3A_33 : i1 to vector<16xi1>
      %reduce_sum3A_35 = tpu.scan <sum>, %scan3A_27#1 masked %reduce_sum3A_34 : vector<16xf32>, vector<16xi1> -> vector<16xf32>
      %reduce_sum3A_36 = vector.extract %reduce_sum3A_35[15] : f32 from vector<16xf32>
      %broadcast_in_dim3A_37 = vector.broadcast %reduce_sum3A_36 : f32 to vector<16xf32>
      %div3A = arith.divf %broadcast_in_dim3A_32, %broadcast_in_dim3A_37 : vector<16xf32>
      %swap3A_38 = arith.constant 0 : i32
      %swap3A_39 = arith.index_cast %swap3A_38 : i32 to index
      %swap3A_40 = arith.constant 0 : index
      %swap3A_41 = tpu.vector_load %arg11[%swap3A_39, %swap3A_40] {strides = array<i32>} : memref<2x16xf32, #tpu.memory_space<vmem>>, vector<16xf32>,
      tpu.vector_store %arg11[%swap3A_39, %swap3A_40], %div3A {strides = array<i32>} : memref<2x16xf32, #tpu.memory_space<vmem>>, vector<16xf32>,
      %reduce_sum3A_42 = arith.constant true
      %reduce_sum3A_43 = vector.broadcast %reduce_sum3A_42 : i1 to vector<16xi1>
      %reduce_sum3A_44 = tpu.scan <sum>, %scan3A_27#2 masked %reduce_sum3A_43 : vector<16xf32>, vector<16xi1> -> vector<16xf32>
      %reduce_sum3A_45 = vector.extract %reduce_sum3A_44[15] : f32 from vector<16xf32>
      %broadcast_in_dim3A_46 = vector.broadcast %reduce_sum3A_45 : f32 to vector<16xf32>
      %reduce_sum3A_47 = arith.constant true
      %reduce_sum3A_48 = vector.broadcast %reduce_sum3A_47 : i1 to vector<16xi1>
      %reduce_sum3A_49 = tpu.scan <sum>, %scan3A_27#3 masked %reduce_sum3A_48 : vector<16xf32>, vector<16xi1> -> vector<16xf32>
      %reduce_sum3A_50 = vector.extract %reduce_sum3A_49[15] : f32 from vector<16xf32>
      %broadcast_in_dim3A_51 = vector.broadcast %reduce_sum3A_50 : f32 to vector<16xf32>
      %div3A_52 = arith.divf %broadcast_in_dim3A_46, %broadcast_in_dim3A_51 : vector<16xf32>
      %swap3A_53 = arith.constant 1 : i32
      %swap3A_54 = arith.index_cast %swap3A_53 : i32 to index
      %swap3A_55 = arith.constant 0 : index
      %swap3A_56 = tpu.vector_load %arg11[%swap3A_54, %swap3A_55] {strides = array<i32>} : memref<2x16xf32, #tpu.memory_space<vmem>>, vector<16xf32>,
      tpu.vector_store %arg11[%swap3A_54, %swap3A_55], %div3A_52 {strides = array<i32>} : memref<2x16xf32, #tpu.memory_space<vmem>>, vector<16xf32>,
      "tpu.region"() ({
        %run_scoped3A = tpu.sem_alloc : memref<!tpu.dma_semaphore, #tpu.memory_space<semaphore_mem>>
        tpu.enqueue_dma source(%arg11 : memref<2x16xf32, #tpu.memory_space<vmem>>) target(%arg6 : memref<2x16xf32, #tpu.memory_space<hbm>>) target_semaphore(%run_scoped3A : memref<!tpu.dma_semaphore, #tpu.memory_space<semaphore_mem>>)
        tpu.wait_dma2 semaphore(%run_scoped3A : memref<!tpu.dma_semaphore, #tpu.memory_space<semaphore_mem>>) src(%arg11 : memref<2x16xf32, #tpu.memory_space<vmem>>) dst(%arg6 : memref<2x16xf32, #tpu.memory_space<hbm>>)
        tpu.yield
      }) : () -> ()
    } else {
    }
    return
  }
}

</mosaic_0001>

<sc_bundles>
// kernel: kernel.3.cloned.1.call-start
scs
__scs_entry_jumppad:
0x0: {  	(pc) =	sbr.rel $0x88, $3  }
0x1: {  	(tag) =	ssettag $0x0;
	lr =	simm.s32 $0x1  }
0x2: {  	[smem:$0x3F9F] =	sst lr;
	_ =	strace $0xD0000000  }
0x3: {  	_ = 	snop  }
0x4: {  	_ = 	snop  }
0x5: {  	_ = 	snop  }
0x6: {  	_ = 	snop  }
0x7: {  	_ = 	snop  }
__scs_overlays_trampoline_lowered:
0x8: {  	[smem:$0x3FAE] =	sst s0  }
0x9: {  	[smem:$0x3FAF] =	sst s1  }
0xa: {  	[smem:$0x3FB0] =	sst s2  }
0xb: {  	[smem:$0x3FB1] =	sst s3  }
0xc: {  	[smem:$0x3FB2] =	sst s4  }
0xd: {  	[smem:$0x3FB3] =	sst s5  }
0xe: {  	[smem:$0x3FB4] =	sst s6  }
0xf: {  	[smem:$0x3FB5] =	sst s7  }
0x10: {  	[smem:$0x3FB6] =	sst s8  }
0x11: {  	[smem:$0x3FB7] =	sst s9;
	s0 =	simm.s32 @!p0 $0x0  }
0x12: {  	s1 =	sld [smem:$0x3F9D];
	s0 =	simm.s32 @p0 $0x1  }
0x13: {  	[smem:$0x3FB8] =	sst s0;
	s0 =	simm.s32 @!p1 $0x0  }
0x14: {  	s2 =	sld [smem:$0x3F9C];
	s0 =	simm.s32 @p1 $0x1  }
0x15: {  	[smem:$0x3FB9] =	sst s0;
	s0 =	simm.s32 @!p2 $0x0  }
0x16: {  	s3 =	sld [smem:$0x3FDB];
	s0 =	simm.s32 @p2 $0x1  }
0x17: {  	s4 =	simm.s32 $0x1BF5;
	[smem:$0x3FBB] =	sst s0  }
0x18: {  	s0 =	sld [smem:$0x3F9E];
	_ =	swait.ge [sflag:s4], $0x0  }
0x19: {  	s7 =	sld [smem:$0x3F9F]  }
0x1a: {  	s8 =	sadd.s32 $0xFFFFE003, lr  }
0x1b: {  	s9 =	sadd.s32 $0xFFFFFEF7, lr;
	s5 =	simm.s32 $0xFFFFFFFF;
	p2 =	slt.u32 s8, $0xFFFFF086  }
0x1c: {  	p1 =	slt.u32 s9, $0xF7A;
	s5 =	simm.s32 @!p2 $0x0  }
0x1d: {  	s5 =	simm.s32 @p1 $0x1;
	p0 =	seq.s32 s7, s2  }
0x1e: {  	s7 =	smul.u32 @!p0 $0xF7A, s2;
	p2 =	seq.s32 @!p0 s5, $0x0  }
0x1f: {  	s9 =	smul.u32 $0xF7A, s1;
	s8 =	simm.s32 @!p0 $0x1BF5;
	p2 =	por !p2, p0  }
0x20: {  	[sflag:s8] =	ssyncset.s32 @!p0 $0xFFFFF086;
	s6 =	sadd.s32 @!p0 s3, s7;
	s7 =	simm.s32 @!p0 $0x108  }
0x21: {  	s3 =	sadd.s32 s3, s9;
	s6 =	sadd.s32 @!p0 $0x88, s6;
	s7 =	simm.s32 @p2 $0x1082  }
0x22: {  	[simem:s7], [sflag:s8] =	dma.local @!p0 [hbm:s6], $0xF7A  }
0x23: {  	s9 =	sor.u32 $0xD0000000, s2;
	s6 =	simm.s32 $0x108;
	_ =	swait.ge @!p0 [sflag:s8], $0x0  }
0x24: {  	s3 =	sadd.s32 $0x88, s3;
	s6 =	simm.s32 @!p1 $0x1082;
	[sflag:s4] =	ssyncset.s32 $0xFFFFF086  }
0x25: {  	[simem:s6], [sflag:s4] =	dma.local [hbm:s3], $0xF7A  }
0x26: {  	[smem:$0x3F9F] =	sst s1;
	(tag) =	ssettag s2;
	_ =	strace s9  }
0x27: {  	s1 =	sld [smem:$0x3FAF]  }
0x28: {  	s2 =	sld [smem:$0x3FB0]  }
0x29: {  	s4 =	sld [smem:$0x3FB2]  }
0x2a: {  	p0 =	seq.s32 s5, $0x0;
	s5 =	sld [smem:$0x3FB3]  }
0x2b: {  	s6 =	sld [smem:$0x3FB4]  }
0x2c: {  	s7 =	sld [smem:$0x3FB5]  }
0x2d: {  	s3 =	simm.s32 $0x108;
	s8 =	sld [smem:$0x3FB6]  }
0x2e: {  	s3 =	simm.s32 @!p0 $0x1082;
	s9 =	sld [smem:$0x3FB7]  }
0x2f: {  	lr =	sadd.s32 s0, s3;
	s0 =	sld [smem:$0x3FAE]  }
0x30: {  	s3 =	sld [smem:$0x3FB1]  }
0x31: {  	[smem:$0x3FBA] =	sst s10  }
0x32: {  	s10 =	sld [smem:$0x3FB8];
	_ =	sdelay $0x3  }
0x33: {  	p0 =	seq.s32 s10, $0x1;
	s10 =	sld [smem:$0x3FBA];
	_ =	sdelay $0x3  }
0x34: {  	[smem:$0x3FBA] =	sst s10  }
0x35: {  	s10 =	sld [smem:$0x3FB9];
	_ =	sdelay $0x3  }
0x36: {  	p1 =	seq.s32 s10, $0x1;
	s10 =	sld [smem:$0x3FBA];
	_ =	sdelay $0x3  }
0x37: {  	[smem:$0x3FBA] =	sst s10  }
0x38: {  	s10 =	sld [smem:$0x3FBB]  }
0x39: {  	_ = 	snop;
	(pc) =	sbr.ind lr, $3  }
0x3a: {  	_ = 	snop  }
0x3b: {  	_ = 	snop  }
0x3c: {  	p2 =	seq.s32 s10, $0x1;
	s10 =	sld [smem:$0x3FBA]  }
0x3d: {  	_ =	shalt  }
0x3e: {  	_ =	shalt  }
0x3f: {  	_ =	shalt  }
0x40: {  	_ =	shalt  }
0x41: {  	_ =	shalt  }
0x42: {  	_ =	shalt  }
0x43: {  	_ =	shalt  }
0x44: {  	_ =	shalt  }
0x45: {  	_ =	shalt  }
0x46: {  	_ =	shalt  }
0x47: {  	_ =	shalt  }
0x48: {  	_ =	shalt  }
0x49: {  	_ =	shalt  }
0x4a: {  	_ =	shalt  }
0x4b: {  	_ =	shalt  }
0x4c: {  	_ =	shalt  }
0x4d: {  	_ =	shalt  }
0x4e: {  	_ =	shalt  }
0x4f: {  	_ =	shalt  }
0x50: {  	_ =	shalt  }
0x51: {  	_ =	shalt  }
0x52: {  	_ =	shalt  }
0x53: {  	_ =	shalt  }
0x54: {  	_ =	shalt  }
0x55: {  	_ =	shalt  }
0x56: {  	_ =	shalt  }
0x57: {  	_ =	shalt  }
0x58: {  	_ =	shalt  }
0x59: {  	_ =	shalt  }
0x5a: {  	_ =	shalt  }
0x5b: {  	_ =	shalt  }
0x5c: {  	_ =	shalt  }
0x5d: {  	_ =	shalt  }
0x5e: {  	_ =	shalt  }
0x5f: {  	_ =	shalt  }
0x60: {  	_ =	shalt  }
0x61: {  	_ =	shalt  }
0x62: {  	_ =	shalt  }
0x63: {  	_ =	shalt  }
0x64: {  	_ =	shalt  }
0x65: {  	_ =	shalt  }
0x66: {  	_ =	shalt  }
0x67: {  	_ =	shalt  }
0x68: {  	_ =	shalt  }
0x69: {  	_ =	shalt  }
0x6a: {  	_ =	shalt  }
0x6b: {  	_ =	shalt  }
0x6c: {  	_ =	shalt  }
0x6d: {  	_ =	shalt  }
0x6e: {  	_ =	shalt  }
0x6f: {  	_ =	shalt  }
0x70: {  	_ =	shalt  }
0x71: {  	_ =	shalt  }
0x72: {  	_ =	shalt  }
0x73: {  	_ =	shalt  }
0x74: {  	_ =	shalt  }
0x75: {  	_ =	shalt  }
0x76: {  	_ =	shalt  }
0x77: {  	_ =	shalt  }
0x78: {  	_ =	shalt  }
0x79: {  	_ =	shalt  }
0x7a: {  	_ =	shalt  }
0x7b: {  	_ =	shalt  }
0x7c: {  	_ =	shalt  }
0x7d: {  	_ =	shalt  }
0x7e: {  	_ =	shalt  }
0x7f: {  	_ =	shalt  }
0x80: {  	_ =	shalt  }
0x81: {  	_ =	shalt  }
0x82: {  	_ =	shalt  }
0x83: {  	_ =	shalt  }
0x84: {  	_ =	shalt  }
0x85: {  	_ =	shalt  }
0x86: {  	_ =	shalt  }
0x87: {  	_ =	shalt  }
.Lfunc_end0:
.L_simem_size_0:
called_computation_lowered:
.L_overlay_start_0:
0x88: {  	s2 =	sld [smem:$0x3FD9]  }
0x89: {  	s3 =	sld [smem:$0x3FFE];
	_ =	sdelay $0x1  }
0x8a: {  	s1 =	srdreg.scid  }
0x8b: {  	s0 =	sand.u32 $0x1, s1  }
0x8c: {  	s17 =	sshll.u32 s0, $0xA;
	s2 =	sadd.s32 s3, s2  }
0x8d: {  	s2 =	sadd.s32 s2, s17  }
0x8e: {  	[smem:$0x3FC6] =	sst s2  }
0x8f: {  	_ = 	snop  }
0x90: {  	s2 =	sld [smem:$0x3FC9]  }
0x91: {  	s18 =	sld [smem:$0x3FC8];
	(tm) =	ssettm $0x1  }
0x92: {  	s4 =	sld [smem:$0x3FFB];
	_ =	sdelay $0x3  }
0x93: {  	_ =	strace s4  }
0x94: {  	s4 =	sld [smem:$0x3FFC];
	_ =	sdelay $0x3  }
0x95: {  	_ =	strace s4  }
0x96: {  	s4 =	sld [smem:$0x3FFD];
	_ =	sdelay $0x3  }
0x97: {  	_ =	strace s4  }
0x98: {  	_ =	strace $0x8FFFFFFF  }
0x99: {  	s19 =	sld [smem:$0x3FDB];
	_ =	sdelay $0x1  }
0x9a: {  	s5 =	simm.s32 $_scs_section_size  }
0x9b: {  	s6 =	simm.s32 $_size__tile_overlayer_lowered;
	s7 =	simm.s32 $_tile_overlayer_lowered  }
0x9c: {  	s22 =	simm.s32 $0x1BFF;
	s21 =	sshll.u32 s7, $0x1;
	s4 =	sadd.s32 s5, s19  }
0x9d: {  	s8 =	simm.s32 $0x0;
	s20 =	sshll.u32 s6, $0x1;
	s6 =	sadd.s32 s21, s4  }
0x9e: {  	[timem:s8], [sflag:s22] =	dma.local [hbm:s6], s20  }
0x9f: {  	_ =	swait.ge [sflag:s22], s20  }
0xa0: {  	s5 =	ssub.s32 $0x0, s20;
	[sflag:s22] =	ssyncset.done $0x0  }
0xa1: {  	[sflag:s22] =	ssyncadd.s32 s5;
	_ =	sdelay $0x1  }
0xa2: {  	s23 =	simm.s32 $0x1B8B  }
0xa3: {  	_ =	swait.ge [sflag:s23], $0x1  }
0xa4: {  	[sflag:s23] =	ssyncset.done $0x0  }
0xa5: {  	s25 =	simm.s32 $0x1B8E;
	s24 =	sld [smem:$0x3FFE];
	[sflag:s23] =	ssyncadd.s32 $0xFFFFFFFF  }
0xa6: {  	s26 =	simm.s32 $execute0_lowered;
	[smem:$0x3FD2] =	sst s25  }
0xa7: {  	s6 =	sshll.u32 s26, $0x1;
	_ =	strace $0x80000046;
	[dreg:$0x1] =	wrdreg $0xFFFFFFFF  }
0xa8: {  	s28 =	simm.s32 $_size_execute0_lowered;
	s4 =	sadd.s32 s4, s6;
	[dreg:$0x0] =	wrdreg $0x0  }
0xa9: {  	s6 =	sshll.u32 s28, $0x1;
	[dreg:$0x2] =	wrdreg s4  }
0xaa: {  	[dreg:$0x3] =	wrdreg s6  }
0xab: {  	[dreg:$0x4] =	wrdreg $0xC0  }
0xac: {  	_ =	task [dreg:s8], $0x5FFFF  }
0xad: {  	[dreg:$0x1] =	wrdreg $0xFFFFFFFF  }
0xae: {  	[dreg:$0x0] =	wrdreg $0x60  }
0xaf: {  	[dreg:$0x2] =	wrdreg s2  }
0xb0: {  	[dreg:$0x3] =	wrdreg s18  }
0xb1: {  	[dreg:$0x4] =	wrdreg s24  }
0xb2: {  	[dreg:$0x5] =	wrdreg $0x9  }
0xb3: {  	_ =	task.clear_ibuf [dreg:s8], $0x6FFFF;
	_ =	strace $0x90000046  }
0xb4: {  	s29 =	simm.s32 $0x9;
	_ =	strace $0x80000048  }
0xb5: {  	_ =	swait.ge [sflag:s29], $0x1  }
0xb6: {  	[sflag:s29] =	ssyncadd.s32 $0xFFFFFFFF  }
0xb7: {  	_ =	strace $0x90000048  }
0xb8: {  	_ =	sfence  }
0xb9: {  	s30 =	sld [smem:$0x0];
	_ =	sdelay $0x2  }
0xba: {  	s31 =	sshll.u32 s1, $0xD;
	s1 =	sshrl.u32 s1, $0x2  }
0xbb: {  	s3 =	sand.u32 $0x4000, s31;
	s1 =	sadd.s32 s1, s30  }
0xbc: {  	s0 =	sor.u32 s3, s0;
	s1 =	sshll.u32 s1, $0x11  }
0xbd: {  	s0 =	sor.u32 s1, s0  }
0xbe: {  	s0 =	sadd.s32 $0x8F2B, s0  }
0xbf: {  	[sflag:s0] =	ssyncadd.remote.s32 $0x1  }
0xc0: {  	_ =	sfence.sel $0xFFFF  }
0xc1: {  	[dreg:$0x0] =	wrdreg $0xFFFFFFFF;
	(pc) =	sbr.abs _section_cstart, $3  }
0xc2: {  	[dreg:$0x1] =	wrdreg $0xFFFFFFFF  }
0xc3: {  	_ =	task.clear_ibuf [dreg:s8], $0x2FFFF;
	_ =	strace $0x9FFFFFFF  }
0xc4: {  	(tm) =	ssettm $0x7FFFFFFF  }
0xc5: {  	_ =	shalt  }
tec
execute0_lowered:
.L_overlay_start_1:
0x0: {  	(tag) =	ssettag $0x1  }
0x1: {  	s1 =	rddreg [dreg:$0x0]  }
0x2: {  	s3 =	rddreg [dreg:$0x1]  }
0x3: {  	s5 =	rddreg [dreg:$0x2]  }
0x4: {  	s0 =	rddreg [dreg:$0x3]  }
0x5: {  	s6 =	srdreg.scid;
	s2 =	stileid.u32  }
0x6: {  	s4 =	simm.s32 $0x0;
	s10 =	simm.s32 $0x1;
	s11 =	simm.s32 $0x1080  }
0x7: {  	s13 =	simm.s32 $0x2180;
	s14 =	simm.s32 $0x2200;
	s15 =	simm.s32 $0x0  }
0x8: {  	s6 =	sand.u32 $0x1, s6;
	s7 =	sshll.u32 s2, $0x1;
	[smem:$0x7FF] =	sst s4  }
.Ltmp0:
0x9: {  	s12 =	sor.u32 s6, s7;
	s6 =	ssub.s32 $0x2, s6;
	(pc) =	sbr.rel .LBB2_1-.Ltmp0, $4  }
0xa: {  	_ =	strace $0x80000047;
	s7 =	sshll.u32 s12, $0x4;
	s31 =	sshrl.u32 s6, $0x1  }
0xb: {  	p0 =	sne.s32 s12, $0x1F;
	s8 =	sadd.s32 s7, s5;
	s5 =	sadd.s32 $0x800, s5  }
0xc: {  	s9 =	ssub.s32 s6, s31;
	s6 =	sshll.u32 s12, $0x7;
	s12 =	simm.s32 $0x2100  }
0xd: {  	v0 =	vimm.f32 $0.0e+00;
	v1 =	vimm.s32 $0x0;
	v2 =	vimm.f32 $1.000000000e+00;
	s7 =	sadd.s32 $0x400, s8;
	s8 =	sadd.s32 $0x600, s8;
	s9 =	smax.u32 s9, $0x1  }
.LBB2_11:
0xe: {  	s15 =	sadd.s32 $0x1, s15  }
0xf: {  	p1 =	sne.s32 s15, s9  }
.Ltmp1:
0x10: {  	_ = 	snop;
	(pc) =	sbr.rel @!p1 .LBB2_12-.Ltmp1, $1  }
0x11: {  	_ =	sdelay $0x3  }
.LBB2_1:
0x12: {  	[tilespmem:s4], [sflag:$0x1] =	stream.linear.gather [hbm4b:s1+s4], $0x1000, $0x38;
	[tilespmem:$0x2300] =	vst v63  }
0x13: {  	_ =	swait.ge [sflag:s10], $0x1000  }
0x14: {  	[sflag:s10] =	ssyncset.done $0x0  }
0x15: {  	[sflag:s10] =	ssyncadd.s32 $0xFFFFF000  }
0x16: {  	[tilespmem:s11], [sflag:$0x1] =	stream.linear.gather [hbm4b:s3+s4], $0x1000, $0x38;
	[tilespmem:$0x2300] =	vst v63  }
0x17: {  	_ =	swait.ge [sflag:s10], $0x1000  }
0x18: {  	[sflag:s10] =	ssyncset.done $0x0  }
0x19: {  	v3 =	vimm.f32 $0.0e+00;
	v4 =	vimm.f32 $0.0e+00;
	s16 =	simm.s32 $0x0;
	[sflag:s10] =	ssyncadd.s32 $0xFFFFF000  }
.LBB2_2:
0x1a: {  	s17 =	sadd.s32 s6, s16  }
0x1b: {  	s18 =	simm.s32 $0x10;
	v6 =	vld.msk [tilespmem:s17+$0x0 ss:$0x0], $0xffff  }
0x1c: {  	v7 =	vld [tilespmem:s18+$0xFFFFFFF0]  }
0x1d: {  	v8 =	vld [tilespmem:s18+$0x0]  }
0x1e: {  	s30 =	simm.s32 $0x1090;
	v5 =	vld.msk [tilespmem:s17+$0x1080 ss:$0x0], $0xffff  }
0x1f: {  	v9 =	vld [tilespmem:s30+$0xFFFFFFF0]  }
0x20: {  	v10 =	vld [tilespmem:s30+$0x0]  }
0x21: {  	s31 =	simm.s32 $0x30;
	v7 =	vsub.f32 v7, v6  }
0x22: {  	v11 =	vld [tilespmem:s31+$0xFFFFFFF0];
	v8 =	vsub.f32 v8, v6  }
0x23: {  	v7 =	vand.u32 $0x7FFFFFFF, v7  }
0x24: {  	vm0 =	veq.s32 v9, v5;
	v12 =	vand.u32 $0x7FFFFFFF, v8;
	v8 =	vld [tilespmem:s31+$0x0];
	vm1 =	vge.f32 v7, $1.000000000e+00  }
0x25: {  	s17 =	simm.s32 $0x10B0;
	vm14 =	veq.s32 v10, v5;
	vm2 =	vge.f32 v12, $1.000000000e+00;
	vm0 =	vmand vm0, vm1  }
0x26: {  	v13 =	vimm.f32 $-1.000000000e+00;
	v9 =	vld [tilespmem:s17+$0xFFFFFFF0];
	vm15 =	vmand vm14, vm2;
	v14 =	vsel vm0, $0xBF800000, v7  }
0x27: {  	s19 =	simm.s32 $0x50;
	s18 =	simm.s32 $0x4;
	v10 =	vsub.f32 v11, v6;
	v7 =	vld [tilespmem:s17+$0x0];
	v12 =	vsel vm15, $0xBF800000, v12;
	v11 =	vmax.f32 v13, v14  }
.LBB2_3:
0x28: {  	s18 =	sadd.s32 $0x2, s18  }
0x29: {  	v13 =	vld [tilespmem:s19+$0xFFFFFFF0];
	v14 =	vsub.f32 v8, v6;
	v11 =	vmax.f32 v11, v12;
	p1 =	slt.u32 s18, $0xFE  }
.Ltmp2:
0x2a: {  	v8 =	vld [tilespmem:s19+$0x0];
	v10 =	vand.u32 $0x7FFFFFFF, v10;
	(pc) =	sbr.rel @p1 .LBB2_3-.Ltmp2, $4  }
0x2b: {  	s17 =	sadd.s32 $0x20, s17;
	vm0 =	veq.s32 v9, v5;
	vm1 =	vge.f32 v10, $1.000000000e+00;
	v12 =	vand.u32 $0x7FFFFFFF, v14  }
0x2c: {  	v9 =	vld [tilespmem:s17+$0xFFFFFFF0];
	vm0 =	vmand vm0, vm1;
	vm1 =	veq.s32 v7, v5;
	vm2 =	vge.f32 v12, $1.000000000e+00  }
0x2d: {  	v7 =	vld [tilespmem:s17+$0x0];
	v14 =	vsel vm0, $0xBF800000, v10;
	vm0 =	vmand vm1, vm2  }
0x2e: {  	s19 =	sadd.s32 $0x20, s19;
	v10 =	vsub.f32 v13, v6;
	v11 =	vmax.f32 v11, v14;
	v12 =	vsel vm0, $0xBF800000, v12  }
0x2f: {  	v13 =	vld [tilespmem:s19+$0xFFFFFFF0]  }
0x30: {  	v14 =	vld [tilespmem:s19+$0x0]  }
0x31: {  	v8 =	vsub.f32 v8, v6;
	s17 =	sadd.s32 $0x20, s17;
	v10 =	vand.u32 $0x7FFFFFFF, v10  }
0x32: {  	vm0 =	veq.s32 v9, v5;
	vm1 =	vge.f32 v10, $1.000000000e+00;
	v9 =	vld [tilespmem:s17+$0xFFFFFFF0]  }
0x33: {  	v11 =	vmax.f32 v11, v12;
	v12 =	vld [tilespmem:s17+$0x0];
	v8 =	vand.u32 $0x7FFFFFFF, v8;
	vm0 =	vmand vm0, vm1  }
0x34: {  	vm1 =	veq.s32 v7, v5;
	vm2 =	vge.f32 v8, $1.000000000e+00;
	v7 =	vsub.f32 v13, v6  }
0x35: {  	v10 =	vsel vm0, $0xBF800000, v10;
	vm0 =	vmand vm1, vm2;
	v13 =	vsub.f32 v14, v6  }
0x36: {  	s30 =	simm.s32 $0x10;
	v10 =	vmax.f32 v11, v10;
	v8 =	vsel vm0, $0xBF800000, v8;
	v7 =	vand.u32 $0x7FFFFFFF, v7  }
0x37: {  	v11 =	vld [tilespmem:s30+$0xFFFFFFF0];
	vm0 =	veq.s32 v9, v5;
	v9 =	vand.u32 $0x7FFFFFFF, v13;
	vm1 =	vge.f32 v7, $1.000000000e+00  }
0x38: {  	vm2 =	vge.f32 v9, $1.000000000e+00;
	vm0 =	vmand vm0, vm1;
	vm1 =	veq.s32 v12, v5  }
0x39: {  	v8 =	vmax.f32 v10, v8;
	v12 =	vld [tilespmem:s30+$0x0];
	v7 =	vsel vm0, $0xBF800000, v7;
	vm0 =	vmand vm1, vm2  }
0x3a: {  	v7 =	vmax.f32 v8, v7;
	v8 =	vsel vm0, $0xBF800000, v9  }
0x3b: {  	v7 =	vmax.f32 v7, v8  }
0x3c: {  	(xrf0) =	vmax.scan.msk.f32 $0xffff, v7;
	v7 =	vsub.f32 v11, v6  }
0x3d: {  	s18 =	simm.s32 $0x1090  }
0x3e: {  	v15 =	vld [tilespmem:s18+$0xFFFFFFF0];
	v8 =	vsub.f32 v12, v6;
	v11 =	vand.u32 $0x7FFFFFFF, v7  }
0x3f: {  	s31 =	simm.s32 $0x30;
	v13 =	vld [tilespmem:s18+$0x0];
	v7 =	vmul.f32 $-1.600000000e+01, v11  }
0x40: {  	v9 =	vld [tilespmem:s31+$0x0];
	v12 =	vand.u32 $0x7FFFFFFF, v8  }
0x41: {  	v10 =	vmul.f32 $-1.600000000e+01, v12;
	v14 =	vmul.f32 $1.442695020e+00, v7  }
0x42: {  	v8 =	vld [tilespmem:s31+$0xFFFFFFF0]  }
0x43: {  	v16 =	vmul.f32 $1.442695020e+00, v10;
	(erf) = vpow2.f32 v14  }
0x44: {  	vm6 =	vne.s32 v15, v5;
	vm1 =	veq.s32 v15, v5  }
0x45: {  	vm2 =	vne.s32 v13, v5;
	v9 =	vsub.f32 v9, v6;
	(erf) = vpow2.f32 v16  }
0x46: {  	vm7 =	veq.s32 v13, v5;
	vm8 =	vlt.f32 v11, $1.000000000e+00;
	vm4 =	vlt.f32 v12, $1.000000000e+00;
	v7, _, _ =	vpop (xrf0)  }
0x47: {  	v7 =	vbroadcast v7, $0xF;
	v14 =	vsub.f32 v8, v6;
	v8 =	vand.u32 $0x7FFFFFFF, v9  }
0x48: {  	vm6 =	vmor vm8, vm6;
	v10 =	vimm.f32 $0.0e+00;
	v13 =	vmul.f32 $-1.600000000e+01, v8  }
0x49: {  	v9 =	vand.u32 $0x7FFFFFFF, v14;
	vm0 =	vlt.f32 v12, v7;
	vm3 =	vlt.f32 v11, v7  }
0x4a: {  	s17 =	simm.s32 $0x10B0;
	v11 =	vimm.f32 $0.0e+00;
	v14 =	vmul.f32 $-1.600000000e+01, v9;
	vm9 =	vmand vm4, vm0  }
0x4b: {  	s19 =	simm.s32 $0x50;
	s18 =	simm.s32 $0x2;
	v12 =	vld [tilespmem:s17+$0x0];
	vm4 =	vmor vm4, vm2;
	vm5 =	vmand vm8, vm3;
	vm2 =	vmand vm9, vm7  }
.LBB2_5:
0x4c: {  	v15 =	vld [tilespmem:s19+$0x0];
	vm1 =	vmand vm5, vm1;
	vm3 =	vmand vm3, vm6;
	vm0 =	vmand vm0, vm4;
	v16 =	vpop (erf)  }
0x4d: {  	v14 =	vmul.f32 $1.442695020e+00, v14;
	v17 =	vld [tilespmem:s19+$0xFFFFFFF0];
	v18 =	vnsel vm1, $0x0, v16;
	v20 =	vnsel vm3, $0x0, v16  }
0x4e: {  	v13 =	vmul.f32 $1.442695020e+00, v13;
	v19 =	vld [tilespmem:s17+$0xFFFFFFF0];
	v10 =	vadd.f32 v18, v10;
	v11 =	vadd.f32 v20, v11;
	v16 =	vpop (erf)  }
0x4f: {  	s18 =	sadd.s32 $0x2, s18;
	(erf) = vpow2.f32 v14;
	v14 =	vnsel vm2, $0x0, v16;
	v16 =	vnsel vm0, $0x0, v16  }
0x50: {  	p1 =	slt.u32 s18, $0xFE;
	v10 =	vadd.f32 v14, v10;
	v11 =	vadd.f32 v16, v11  }
0x51: {  	v14 =	vsub.f32 v15, v6;
	(erf) = vpow2.f32 v13  }
0x52: {  	vm2 =	vne.s32 v12, v5;
	vm7 =	veq.s32 v12, v5;
	v13 =	vsub.f32 v17, v6  }
.Ltmp3:
0x53: {  	v12 =	vand.u32 $0x7FFFFFFF, v14;
	vm6 =	vne.s32 v19, v5;
	vm1 =	veq.s32 v19, v5;
	(pc) =	sbr.rel @p1 .LBB2_5-.Ltmp3, $4  }
0x54: {  	vm4 =	vlt.f32 v8, $1.000000000e+00;
	vm0 =	vlt.f32 v8, v7;
	v14 =	vand.u32 $0x7FFFFFFF, v13;
	v8 =	vmovc v12  }
0x55: {  	vm8 =	vlt.f32 v9, $1.000000000e+00;
	vm3 =	vlt.f32 v9, v7;
	v13 =	vmul.f32 $-1.600000000e+01, v8;
	v9 =	vmovc v14  }
0x56: {  	s17 =	sadd.s32 $0x20, s17;
	vm9 =	vmand vm4, vm0;
	vm4 =	vmor vm4, vm2;
	v14 =	vmul.f32 $-1.600000000e+01, v9  }
0x57: {  	s19 =	sadd.s32 $0x20, s19;
	vm5 =	vmand vm8, vm3;
	vm2 =	vmand vm9, vm7;
	vm6 =	vmor vm8, vm6;
	v12 =	vld [tilespmem:s17+$0x0]  }
0x58: {  	v6 =	vmul.f32 $1.442695020e+00, v14;
	_ =	sdelay $0x1  }
0x59: {  	v13 =	vmul.f32 $1.442695020e+00, v13;
	(erf) = vpow2.f32 v6  }
0x5a: {  	v57 =	vld [tilespmem:s17+$0xFFFFFFF0]  }
0x5b: {  	vm1 =	vmand vm5, vm1;
	vm3 =	vmand vm3, vm6;
	v6 =	vpop (erf);
	(erf) = vpow2.f32 v13  }
0x5c: {  	vm0 =	vmand vm0, vm4;
	vm14 =	vlt.f32 v9, $1.000000000e+00;
	vm15 =	vlt.f32 v9, v7  }
0x5d: {  	vm12 =	vlt.f32 v8, $1.000000000e+00;
	vm7 =	vlt.f32 v8, v7;
	vm8 =	vmand vm14, vm15  }
0x5e: {  	v15 =	vnsel vm1, $0x0, v6;
	v6 =	vnsel vm3, $0x0, v6;
	vm1 =	veq.s32 v12, v5  }
0x5f: {  	v58 =	vpop (erf);
	vm13 =	vne.s32 v57, v5;
	vm3 =	veq.s32 v57, v5;
	v10 =	vadd.f32 v15, v10  }
0x60: {  	v6 =	vadd.f32 v6, v11;
	v59 =	vnsel vm2, $0x0, v58;
	v13 =	vnsel vm0, $0x0, v58  }
0x61: {  	vm0 =	vne.s32 v12, v5;
	vm2 =	vmor vm14, vm13;
	vm13 =	vmand vm12, vm7  }
0x62: {  	vm3 =	vmand vm8, vm3;
	vm0 =	vmor vm12, vm0;
	v10 =	vadd.f32 v59, v10;
	v5 =	vpop (erf)  }
0x63: {  	vm2 =	vmand vm15, vm2;
	v6 =	vadd.f32 v13, v6;
	v7 =	vnsel vm3, $0x0, v5  }
0x64: {  	vm1 =	vmand vm13, vm1;
	v5 =	vnsel vm2, $0x0, v5;
	v7 =	vadd.f32 v7, v10;
	v60 =	vpop (erf)  }
0x65: {  	vm0 =	vmand vm7, vm0;
	v5 =	vadd.f32 v5, v6;
	v6 =	vnsel vm1, $0x0, v60  }
0x66: {  	v8 =	vnsel vm0, $0x0, v60;
	v6 =	vadd.f32 v6, v7  }
0x67: {  	v5 =	vadd.f32 v8, v5  }
0x68: {  	(xrf2) =	vadd.scan.msk.f32 $0xffff, v6  }
0x69: {  	(xrf2) =	vadd.scan.msk.f32 $0xffff, v5;
	_ =	sdelay $0x8  }
0x6a: {  	v5, _, _ =	vpop (xrf2)  }
0x6b: {  	v6, _, _ =	vpop (xrf2)  }
0x6c: {  	v6 =	vbroadcast v6, $0xF;
	_ =	sdelay $0x1  }
0x6d: {  	(erf) = vrcp.f32 v6;
	_ =	sdelay $0x7  }
0x6e: {  	v5 =	vbroadcast v5, $0xF  }
0x6f: {  	v6 =	vpop (erf)  }
0x70: {  	v6 =	vmul.f32 v6, v5;
	_ =	sdelay $0x1  }
0x71: {  	v7 =	vand.u32 $0x7FFFFF, v6  }
0x72: {  	v7 =	vor.u32 $0x3F800000, v7  }
0x73: {  	v61 =	vmul.f32 $5.000000000e-01, v7  }
0x74: {  	vm14 =	vgt.f32 v7, $1.414213540e+00  }
0x75: {  	v7 =	vsel vm14, v61, v7  }
0x76: {  	v8 =	vadd.f32 $1.000000000e+00, v7;
	_ =	sdelay $0x1  }
0x77: {  	(erf) = vrcp.f32 v8;
	_ =	sdelay $0x7  }
0x78: {  	v7 =	vadd.f32 $-1.000000000e+00, v7  }
0x79: {  	v8 =	vpop (erf)  }
0x7a: {  	v7 =	vmul.f32 v8, v7;
	_ =	sdelay $0x1  }
0x7b: {  	v8 =	vmul.f32 v7, v7;
	_ =	sdelay $0x1  }
0x7c: {  	v62 =	vmul.f32 $1.428571490e-01, v8;
	_ =	sdelay $0x1  }
0x7d: {  	v9 =	vadd.f32 $2.000000030e-01, v62;
	_ =	sdelay $0x1  }
0x7e: {  	v9 =	vmul.f32 v9, v8;
	_ =	sdelay $0x1  }
0x7f: {  	v6 =	vshrl.u32 v6, $0x17;
	v9 =	vadd.f32 $3.333333430e-01, v9  }
0x80: {  	v6 =	vand.u32 $0xFF, v6;
	v63 =	vsel vm14, $0x1, v1  }
0x81: {  	v6 =	vadd.s32 v63, v6;
	v8 =	vmul.f32 v9, v8  }
0x82: {  	v6 =	vadd.s32 $0xFFFFFF81, v6  }
0x83: {  	v6 =	vcvt.s32.f32 v6;
	v7 =	vadd.f32 v7, v7;
	v8 =	vadd.f32 $1.000000000e+00, v8;
	_ =	sdelay $0x1  }
0x84: {  	v6 =	vmul.f32 $6.931471820e-01, v6;
	v7 =	vmul.f32 v8, v7;
	_ =	sdelay $0x1  }
0x85: {  	v6 =	vadd.f32 v7, v6  }
0x86: {  	s16 =	sadd.s32 $0x1, s16  }
0x87: {  	p1 =	sne.s32 s16, $0x80;
	v6 =	vsub.f32 $0.0e+00, v6  }
.Ltmp4:
0x88: {  	vm15 =	vgt.f32 v5, $0.0e+00;
	(pc) =	sbr.rel @p1 .LBB2_2-.Ltmp4, $4  }
0x89: {  	v5 =	vnsel vm15, $0x0, v6  }
0x8a: {  	vm0 =	vlt.f32 v5, $6.000000240e-01  }
0x8b: {  	v6 =	vsel vm0, $0x3F800000, v0  }
0x8c: {  	v4 =	vadd.f32 v5, v4;
	v3 =	vadd.f32 v6, v3  }
0x8d: {  	_ = 	snop  }
0x8e: {  	[tilespmem:$0x2100] =	vst v4  }
0x8f: {  	[tilespmem:$0x2180] =	vst v3  }
0x90: {  	[hbm4b:s7+s4] =	stream.linear.scatter [tilespmem:s12], [sflag:$0x1], $0x80, $0x38;
	[tilespmem:$0x2300] =	vst v63  }
0x91: {  	_ =	swait.ge [sflag:s10], $0x80  }
0x92: {  	[sflag:s10] =	ssyncset.done $0x0  }
.Ltmp5:
0x93: {  	[sflag:s10] =	ssyncadd.s32 $0xFFFFFF80;
	(pc) =	sbr.rel @p0 .LBB2_11-.Ltmp5, $4  }
0x94: {  	[hbm4b:s8+s4] =	stream.linear.scatter [tilespmem:s13], [sflag:$0x1], $0x80, $0x38;
	[tilespmem:$0x2300] =	vst v63  }
0x95: {  	_ =	swait.ge [sflag:s10], $0x80  }
0x96: {  	[sflag:s10] =	ssyncset.done $0x0  }
0x97: {  	[sflag:s10] =	ssyncadd.s32 $0xFFFFFF80  }
0x98: {  	v3 =	vld.msk [tilespmem:$0xFFF ss:$0x0], $0xffff  }
0x99: {  	s16 =	simm.s32 $0x10;
	v4 =	vld.msk [tilespmem:$0x207F ss:$0x0], $0xffff  }
0x9a: {  	s17 =	simm.s32 $0x1090;
	v5 =	vld [tilespmem:s16+$0xFFFFFFF0]  }
0x9b: {  	v7 =	vld [tilespmem:s17+$0xFFFFFFF0]  }
0x9c: {  	v8 =	vld [tilespmem:s17+$0x0]  }
0x9d: {  	v6 =	vld [tilespmem:s16+$0x0];
	_ =	sdelay $0x1  }
0x9e: {  	s16 =	simm.s32 $0x10B0  }
0x9f: {  	v13 =	vld [tilespmem:s16+$0xFFFFFFF0];
	v5 =	vsub.f32 v5, v3  }
0xa0: {  	v12 =	vimm.f32 $0.0e+00;
	vm0 =	veq.s32 v7, v4;
	vm2 =	veq.s32 v8, v4  }
0xa1: {  	v7 =	vsel vm0, $0x0, v2;
	v10 =	vand.u32 $0x7FFFFFFF, v5;
	v5 =	vsub.f32 v6, v3  }
0xa2: {  	s31 =	simm.s32 $0x30;
	v16 =	vsel vm2, $0x0, v2;
	v14 =	vadd.f32 v7, v12  }
0xa3: {  	v6 =	vld [tilespmem:s31+$0xFFFFFFF0];
	vm1 =	vlt.f32 v10, $1.000000000e+00;
	v11 =	vsel vm0, $0x0, v10;
	v5 =	vand.u32 $0x7FFFFFFF, v5  }
0xa4: {  	vm1 =	vmand vm0, vm1;
	v11 =	vadd.f32 v11, v12;
	vm0 =	veq.s32 v13, v4  }
0xa5: {  	v15 =	vld [tilespmem:s31+$0x0];
	vm3 =	vlt.f32 v5, $1.000000000e+00;
	v7 =	vsel vm2, $0x0, v5;
	v13 =	vsel vm1, $0x3F800000, v0  }
0xa6: {  	v10 =	vnsel vm1, $0x0, v10;
	vm3 =	vmand vm2, vm3;
	v13 =	vadd.f32 v13, v12  }
0xa7: {  	v9 =	vnsel vm3, $0x0, v5;
	v5 =	vadd.f32 v16, v14;
	v14 =	vadd.f32 v10, v12;
	v12 =	vld [tilespmem:s16+$0x0]  }
0xa8: {  	v6 =	vsub.f32 v6, v3;
	_ =	sdelay $0x1  }
0xa9: {  	v15 =	vsub.f32 v15, v3;
	v6 =	vand.u32 $0x7FFFFFFF, v6  }
0xaa: {  	s18 =	simm.s32 $0x50;
	s17 =	simm.s32 $0x2;
	v8 =	vsel vm3, $0x3F800000, v0;
	vm1 =	vlt.f32 v6, $1.000000000e+00;
	v10 =	vsel vm0, $0x0, v6  }
.LBB2_9:
0xab: {  	v16 =	vld [tilespmem:s18+$0xFFFFFFF0];
	s17 =	sadd.s32 $0x2, s17;
	v17 =	vsel vm0, $0x0, v2;
	vm2 =	veq.s32 v12, v4;
	s16 =	sadd.s32 $0x20, s16;
	v11 =	vadd.f32 v7, v11  }
0xac: {  	v14 =	vadd.f32 v9, v14;
	v13 =	vadd.f32 v8, v13;
	v18 =	vld [tilespmem:s16+$0xFFFFFFF0];
	p1 =	slt.u32 s17, $0xFE;
	v15 =	vand.u32 $0x7FFFFFFF, v15  }
0xad: {  	v5 =	vadd.f32 v17, v5;
	v19 =	vld [tilespmem:s18+$0x0];
	vm3 =	vlt.f32 v15, $1.000000000e+00;
	v7 =	vsel vm2, $0x0, v15  }
0xae: {  	v17 =	vsel vm2, $0x0, v2;
	vm3 =	vmand vm2, vm3  }
.Ltmp6:
0xaf: {  	v5 =	vadd.f32 v17, v5;
	v12 =	vld [tilespmem:s16+$0x0];
	v9 =	vnsel vm3, $0x0, v15;
	v8 =	vsel vm3, $0x3F800000, v0;
	(pc) =	sbr.rel @p1 .LBB2_9-.Ltmp6, $4  }
0xb0: {  	vm1 =	vmand vm0, vm1;
	v11 =	vadd.f32 v10, v11;
	v15 =	vsub.f32 v16, v3  }
0xb1: {  	v10 =	vnsel vm1, $0x0, v6;
	v16 =	vsel vm1, $0x3F800000, v0;
	vm0 =	veq.s32 v18, v4  }
0xb2: {  	v14 =	vadd.f32 v10, v14;
	v13 =	vadd.f32 v16, v13;
	v6 =	vand.u32 $0x7FFFFFFF, v15  }
0xb3: {  	s18 =	sadd.s32 $0x20, s18;
	v15 =	vsub.f32 v19, v3;
	vm1 =	vlt.f32 v6, $1.000000000e+00;
	v10 =	vsel vm0, $0x0, v6  }
0xb4: {  	vm2 =	veq.s32 v12, v4;
	v3 =	vadd.f32 v7, v11  }
0xb5: {  	v52 =	vadd.f32 v9, v14;
	vm1 =	vmand vm0, vm1;
	v51 =	vand.u32 $0x7FFFFFFF, v15  }
0xb6: {  	v8 =	vadd.f32 v8, v13;
	v6 =	vnsel vm1, $0x0, v6;
	vm3 =	vlt.f32 v51, $1.000000000e+00  }
0xb7: {  	v53 =	vsel vm1, $0x3F800000, v0;
	v6 =	vadd.f32 v6, v52;
	vm3 =	vmand vm2, vm3  }
0xb8: {  	v54 =	vsel vm0, $0x0, v2;
	v8 =	vadd.f32 v53, v8;
	v55 =	vnsel vm3, $0x0, v51  }
0xb9: {  	v3 =	vadd.f32 v10, v3;
	v56 =	vsel vm3, $0x3F800000, v0;
	v6 =	vadd.f32 v55, v6  }
0xba: {  	v5 =	vadd.f32 v54, v5;
	v4 =	vsel vm2, $0x0, v51;
	v57 =	vadd.f32 v56, v8  }
0xbb: {  	v58 =	vsel vm2, $0x0, v2;
	v3 =	vadd.f32 v4, v3;
	(xrf2) =	vadd.scan.msk.f32 $0xffff, v6  }
0xbc: {  	v59 =	vadd.f32 v58, v5;
	(xrf2) =	vadd.scan.msk.f32 $0xffff, v57  }
0xbd: {  	(xrf2) =	vadd.scan.msk.f32 $0xffff, v3  }
0xbe: {  	(xrf2) =	vadd.scan.msk.f32 $0xffff, v59;
	_ =	sdelay $0x6  }
0xbf: {  	v3, _, _ =	vpop (xrf2)  }
0xc0: {  	v60, _, _ =	vpop (xrf2)  }
0xc1: {  	v61, _, _ =	vpop (xrf2)  }
0xc2: {  	v4 =	vbroadcast v60, $0xF;
	v62, _, _ =	vpop (xrf2)  }
0xc3: {  	v6 =	vbroadcast v62, $0xF  }
0xc4: {  	(erf) = vrcp.f32 v4  }
0xc5: {  	(erf) = vrcp.f32 v6;
	_ =	sdelay $0x6  }
0xc6: {  	v3 =	vbroadcast v3, $0xF  }
0xc7: {  	v5 =	vbroadcast v61, $0xF;
	v4 =	vpop (erf)  }
0xc8: {  	v3 =	vmul.f32 v4, v3;
	v63 =	vpop (erf)  }
0xc9: {  	v4 =	vmul.f32 v63, v5  }
0xca: {  	[tilespmem:$0x2200] =	vst v3  }
.Ltmp7:
0xcb: {  	[tilespmem:$0x2280] =	vst v4;
	(pc) =	sbr.rel .LBB2_11-.Ltmp7, $4  }
0xcc: {  	[hbm4b:s5+s4] =	stream.linear.scatter [tilespmem:s14], [sflag:$0x1], $0x100, $0x38;
	[tilespmem:$0x2300] =	vst v63  }
0xcd: {  	_ =	swait.ge [sflag:s10], $0x100  }
0xce: {  	[sflag:s10] =	ssyncset.done $0x0  }
0xcf: {  	[sflag:s10] =	ssyncadd.s32 $0xFFFFFF00  }
.LBB2_12:
0xd0: {  	_ =	sfence.sel $0x180000  }
0xd1: {  	[bflag:$0x0] =	sbarrier.arrive $0xFFFF  }
0xd2: {  	p0 =	sne.s32 s2, $0x0;
	_ =	strace $0x90000047  }
0xd3: {  	s0 =	sadd.s32 @!p0 $0x100000, s0;
	[bflag:$0x2] =	sbarrier.arrive $0xFFFF  }
0xd4: {  	[sflag:s0] =	ssyncadd.tile.s32 @!p0 $0x1;
	_ =	shalt  }
.Lfunc_end2:
_tile_overlayer_lowered:
.L_overlay_start_2:
0xd5: {  	(tag) =	ssettag $0x2  }
0xd6: {  	s0 =	rddreg [dreg:$0x0];
	s2 =	stileid.u32  }
0xd7: {  	s1 =	rddreg [dreg:$0x1];
	p0 =	sne.s32 s2, $0x0  }
0xd8: {  	s3 =	rddreg [dreg:$0x2];
	[bflag:$0x3] =	sbarrier.arrive $0xFFFF;
	s2 =	simm.s32 @!p0 $0x1C01  }
0xd9: {  	[timem:s3], [sflag:s2] =	dma.local @!p0 [hbm:s0], s1  }
0xda: {  	s0 =	simm.s32 @!p0 $0x1  }
0xdb: {  	_ =	swait.ge @!p0 [sflag:s0], s1  }
0xdc: {  	s1 =	ssub.s32 @!p0 $0x0, s1;
	[sflag:s0] =	ssyncset.done @!p0 $0x0  }
0xdd: {  	[sflag:s0] =	ssyncadd.s32 @!p0 s1  }
0xde: {  	[bflag:$0x3] =	sbarrier.arrive $0xFFFF  }
0xdf: {  	_ =	shalt  }

</sc_bundles>
